<compile_context>
chip_gen: v7x
topology: tpu7x:2x2x1
jax: 0.10.2.dev20260603
libtpu: 0.0.44.dev20260713+nightly
codegen_flags: <defaults>
</compile_context>

<pallas_src>
import functools

import jax
import jax.numpy as jnp
import numpy as np
from jax import lax
from jax.experimental import pallas as pl
from jax.experimental.pallas import tpu as pltpu
from jax.experimental.pallas import tpu_sc as plsc

_K = 256
_N = 2048
_H = 12
_DH = 64
_EPS = 1e-06
_MASK_VAL = float(np.finfo(np.float32).max) / 2
_NEG_BIG = -1e38

_NC = 2
_NS = 16
_NW = _NC * _NS
_ROWS = _H * (_K + 1)
_RPW = 104
_ROWS_PAD = _NW * _RPW
_CHUNK = 8
_NCHUNK = _RPW // _CHUNK


def _sample_body(cls_ref, val_ref, maskf_ref, g2_ref, uniq_ref, maskout_ref,
                 idx_ref):
    v = val_ref[...]
    norms = jnp.sqrt(jnp.sum(v * v, axis=-1))
    s = jnp.sum(cls_ref[...] * norms, axis=0, keepdims=True)

    it = lax.broadcasted_iota(jnp.int32, (1, _N), 1)
    validf = (it >= 1).astype(jnp.float32)
    total = jnp.sum(s * validf)
    logits = jnp.log(s / (total + _EPS) + _EPS)
    logits = jnp.where(maskf_ref[...] > 0.5, logits, -_MASK_VAL)

    score = logits + g2_ref[...]
    m = jnp.max(score, axis=1, keepdims=True)
    ti = lax.broadcasted_iota(jnp.int32, (_K, _N), 1)
    sampled = jnp.min(jnp.where(score == m, ti, _N * 2), axis=1,
                      keepdims=True)

    presentf = jnp.max((sampled == ti).astype(jnp.float32), axis=0,
                       keepdims=True)
    n_uniq = jnp.sum(presentf)

    it0 = lax.broadcasted_iota(jnp.int32, (_N, _N), 0)
    it1 = lax.broadcasted_iota(jnp.int32, (_N, _N), 1)
    tri = (it1 <= it0).astype(jnp.float32)
    ranks_col = lax.dot_general(tri, presentf, (((1,), (1,)), ((), ())),
                                preferred_element_type=jnp.float32)
    ranks_excl = jnp.concatenate(
        [jnp.zeros((1, 1), jnp.float32), ranks_col[: _N - 1, :]], axis=0)
    present_col = ranks_col - ranks_excl

    slot_col = ranks_col + (float(_K) - 1.0 - n_uniq)
    jj = lax.broadcasted_iota(jnp.int32, (_N, _K), 1).astype(jnp.float32)
    tvals = lax.broadcasted_iota(jnp.int32, (_N, _K), 0).astype(jnp.float32)
    hit = (slot_col == jj) & (present_col > 0.5)
    uniq_row = jnp.sum(jnp.where(hit, tvals, 0.0), axis=0,
                       keepdims=True)
    uniq_i = uniq_row.astype(jnp.int32)
    uniq257 = jnp.concatenate(
        [jnp.zeros((1, 1), jnp.int32), uniq_i], axis=1)
    mask257 = jnp.concatenate(
        [jnp.ones((1, 1), jnp.int32), (uniq_i != 0).astype(jnp.int32)], axis=1)

    uniq_ref[...] = uniq257
    maskout_ref[...] = mask257
    hh = lax.broadcasted_iota(jnp.int32, (_H, _K + 1), 0)
    idx_ref[...] = hh * _N + uniq257


def _sampling_call(cls_row, value3, maskf, g2):
    return pl.pallas_call(
        _sample_body,
        out_shape=[
            jax.ShapeDtypeStruct((1, _K + 1), jnp.int32),
            jax.ShapeDtypeStruct((1, _K + 1), jnp.int32),
            jax.ShapeDtypeStruct((_H, _K + 1), jnp.int32),
        ],
    )(cls_row, value3, maskf, g2)


@functools.cache
def _make_gather():
    @functools.partial(
        pl.kernel,
        mesh=plsc.VectorSubcoreMesh(core_axis_name="c", subcore_axis_name="s"),
        out_type=jax.ShapeDtypeStruct((_ROWS_PAD, _N), jnp.float32),
        scratch_types=[
            pltpu.VMEM((_RPW,), jnp.int32),
            pltpu.VMEM((_CHUNK, _N), jnp.float32),
            pltpu.VMEM((_CHUNK, _N), jnp.float32),
            pltpu.SemaphoreType.DMA,
            pltpu.SemaphoreType.DMA,
        ],
    )
    def _gather_rows(table_hbm, idx_hbm, out_hbm, idx_v, buf0, buf1, sem0,
                     sem1):
        wid = lax.axis_index("s") * _NC + lax.axis_index("c")
        base = wid * _RPW
        pltpu.sync_copy(idx_hbm.at[pl.ds(base, _RPW)], idx_v)
        bufs = (buf0, buf1)
        sems = (sem0, sem1)
        copies = [None, None]
        copies[0] = pltpu.async_copy(
            table_hbm.at[idx_v.at[pl.ds(0, _CHUNK)]], bufs[0], sems[0])
        for c in range(_NCHUNK):
            nxt = c + 1
            if nxt < _NCHUNK:
                copies[nxt % 2] = pltpu.async_copy(
                    table_hbm.at[idx_v.at[pl.ds(nxt * _CHUNK, _CHUNK)]],
                    bufs[nxt % 2], sems[nxt % 2])
            copies[c % 2].wait()
            pltpu.sync_copy(bufs[c % 2],
                            out_hbm.at[pl.ds(base + c * _CHUNK, _CHUNK)])

    return _gather_rows


def kernel(attn, value, mask):
    b, h, n, _ = attn.shape
    k = _K
    gkey = jax.random.fold_in(jax.random.key(0), 123)
    u = jax.random.uniform(gkey, (b, k, n - 1), dtype=attn.dtype)
    gum = -jnp.log(-jnp.log(u + _EPS) + _EPS)
    g2 = jnp.concatenate(
        [jnp.full((k, 1), _NEG_BIG, jnp.float32), gum.reshape(k, n - 1)],
        axis=1)

    cls_row = attn[0, :, 0, :]
    value3 = value[0]
    maskf = mask.astype(jnp.float32)

    uniq257, mask257, idx2 = _sampling_call(cls_row, value3, maskf, g2)

    idx_flat = jnp.pad(idx2.reshape(_ROWS), (0, _ROWS_PAD - _ROWS))
    table = attn.reshape(h * n, n)

    out = _make_gather()(table, idx_flat)
    new_attn = out[:_ROWS].reshape(1, h, k + 1, n)
    return new_attn, mask257.astype(bool), uniq257

# --- scband reference (transcript-rebuilt; emitter-appended) ---
"""Pipeline reference for scband-adaptive-token-sampling-86131274154442 (READ-ONLY COPY).

The authoritative reference and input builder live on the scoring server;
editing this copy changes nothing except your own understanding.
"""

import jax, jax.numpy as jnp
import numpy as np

OUTPUT_NUM_TOKENS = 256
EPS = 1e-06
B, H, N, DH = 1, 12, 2048, 64


def _log(t, eps=1e-06):
    return jnp.log(t + eps)


def setup_inputs(seed: int = 0) -> dict:
    key = jax.random.key(seed)
    k1, k2 = jax.random.split(key)
    attn = jax.random.uniform(k1, (B, H, N, N), dtype=jnp.float32)
    value = jax.random.normal(k2, (B, H, N, DH), dtype=jnp.float32)
    mask = jnp.ones((B, N), dtype=bool)
    return {"attn": attn, "value": value, "mask": mask}


def reference(attn, value, mask):
    b, h, n, _ = attn.shape
    k = OUTPUT_NUM_TOKENS
    # cls token attention to all other tokens
    cls_attn = attn[..., 0, 1:]  # [B, H, N-1]
    value_norms = jnp.linalg.norm(value[..., 1:, :], axis=-1)  # [B, H, N-1]
    cls_attn = jnp.einsum('bhn,bhn->bn', cls_attn, value_norms)  # [B, N-1]
    normed_cls_attn = cls_attn / (jnp.sum(cls_attn, axis=-1, keepdims=True) + EPS)
    pseudo_logits = _log(normed_cls_attn)
    mask_without_cls = mask[:, 1:]
    mask_value = -np.finfo(np.float32).max / 2
    pseudo_logits = jnp.where(~mask_without_cls, mask_value, pseudo_logits)
    pseudo_logits = jnp.broadcast_to(pseudo_logits[:, None, :], (b, k, n - 1))
    # gumbel noise
    gkey = jax.random.fold_in(jax.random.key(0), 123)
    u = jax.random.uniform(gkey, (b, k, n - 1), dtype=attn.dtype)
    gumbel = -_log(-_log(u))
    pseudo_logits = pseudo_logits + gumbel
    sampled_token_ids = jnp.argmax(pseudo_logits, axis=-1) + 1  # [B, k]
    # unique + sort with zero pre-padding (mirrors tf.unique + sort + pad_sequences 'pre')
    s = jnp.sort(sampled_token_ids, axis=-1)
    dup = jnp.concatenate([jnp.zeros((b, 1), dtype=bool), s[:, 1:] == s[:, :-1]], axis=-1)
    uniq = jnp.where(dup, 0, s)
    uniq = jnp.sort(uniq, axis=-1)  # zeros (padding) come first, unique ids sorted after
    new_mask = uniq != 0
    new_mask = jnp.pad(new_mask, ((0, 0), (1, 0)), constant_values=True)
    uniq = jnp.pad(uniq, ((0, 0), (1, 0)))  # prepend cls token id 0
    idx = jnp.broadcast_to(uniq[:, None, :], (b, h, k + 1))  # [B, H, k+1]
    new_attn = jnp.take_along_axis(attn, idx[..., None], axis=2)  # [B, H, k+1, N]
    return new_attn, new_mask, uniq

if __name__ == "__main__":
    import jax
    _d = setup_inputs()
    print(jax.jit(kernel)(*tuple(_d.values())))

</pallas_src>

<mosaic_0001>
#map = affine_map<(d0, d1) -> (0, 0)>
#map1 = affine_map<(d0, d1) -> (0)>
module attributes {stable_mosaic.version = 14 : i64} {
  func.func @_gather_rows(%arg0: i32, %arg1: i32, %arg2: memref<24576x2048xf32, #tpu.memory_space<hbm>>, %arg3: memref<3328xi32, #tpu.memory_space<hbm>>, %arg4: memref<3328x2048xf32, #tpu.memory_space<hbm>>, %arg5: memref<104xi32, #tpu.memory_space<vmem>>, %arg6: memref<8x2048xf32, #tpu.memory_space<vmem>>, %arg7: memref<8x2048xf32, #tpu.memory_space<vmem>>, %arg8: memref<!tpu.dma_semaphore, #tpu.memory_space<semaphore_mem>>, %arg9: memref<!tpu.dma_semaphore, #tpu.memory_space<semaphore_mem>>) attributes {dimension_semantics = [#tpu.dimension_semantics<core_parallel>, #tpu.dimension_semantics<subcore_parallel>], iteration_bounds = array<i64: 2, 16>, scalar_prefetch = 0 : i64, scratch_operands = 5 : i64, tpu.core_type = #tpu.core_type<sc_vector_subcore>, window_params = [{transform_indices = #map}, {transform_indices = #map1}, {transform_indices = #map}]} {
    %mul3A = arith.constant 2 : i32
    %mul3A_0 = arith.muli %arg1, %mul3A : i32
    %add3A = arith.addi %mul3A_0, %arg0 : i32
    %mul3A_1 = arith.constant 104 : i32
    %mul3A_2 = arith.muli %add3A, %mul3A_1 : i32
    "tpu.region"() ({
      %run_scoped3A = tpu.sem_alloc : memref<!tpu.dma_semaphore, #tpu.memory_space<semaphore_mem>>
      %dma_start3A_157 = tpu.memref_slice %arg3[%mul3A_2] : memref<3328xi32, #tpu.memory_space<hbm>> -> memref<104xi32, #tpu.memory_space<hbm>>
      %dma_start3A_158 = tpu.memref_slice %arg3[%mul3A_2] : memref<3328xi32, #tpu.memory_space<hbm>> -> memref<104xi32, #tpu.memory_space<hbm>>
      tpu.enqueue_dma source(%dma_start3A_158 : memref<104xi32, #tpu.memory_space<hbm>>) target(%arg5 : memref<104xi32, #tpu.memory_space<vmem>>) target_semaphore(%run_scoped3A : memref<!tpu.dma_semaphore, #tpu.memory_space<semaphore_mem>>)
      %dma_wait3A_159 = tpu.memref_slice %arg3[%mul3A_2] : memref<3328xi32, #tpu.memory_space<hbm>> -> memref<104xi32, #tpu.memory_space<hbm>>
      %dma_wait3A_160 = tpu.memref_slice %arg3[%mul3A_2] : memref<3328xi32, #tpu.memory_space<hbm>> -> memref<104xi32, #tpu.memory_space<hbm>>
      tpu.wait_dma2 semaphore(%run_scoped3A : memref<!tpu.dma_semaphore, #tpu.memory_space<semaphore_mem>>) src(%dma_wait3A_160 : memref<104xi32, #tpu.memory_space<hbm>>) dst(%arg5 : memref<104xi32, #tpu.memory_space<vmem>>)
      tpu.yield
    }) : () -> ()
    %dma_start3A = arith.constant 0 : i32
    %dma_start3A_3 = tpu.memref_slice %arg5[%dma_start3A] : memref<104xi32, #tpu.memory_space<vmem>> -> memref<8xi32, #tpu.memory_space<vmem>>
    %dma_start3A_4 = arith.constant 0 : i32
    %dma_start3A_5 = arith.constant 0 : i32
    %dma_start3A_6 = tpu.memref_slice %arg2[%dma_start3A_4, %dma_start3A_5] : memref<24576x2048xf32, #tpu.memory_space<hbm>> -> memref<24576x2048xf32, #tpu.memory_space<hbm>>
    tpu.enqueue_indirect_dma source(%dma_start3A_6 : memref<24576x2048xf32, #tpu.memory_space<hbm>>) target(%arg6 : memref<8x2048xf32, #tpu.memory_space<vmem>>) offsets(%dma_start3A_3 : memref<8xi32, #tpu.memory_space<vmem>>) semaphore(%arg8 : memref<!tpu.dma_semaphore, #tpu.memory_space<semaphore_mem>>)
    %dma_start3A_7 = arith.constant 8 : i32
    %dma_start3A_8 = tpu.memref_slice %arg5[%dma_start3A_7] : memref<104xi32, #tpu.memory_space<vmem>> -> memref<8xi32, #tpu.memory_space<vmem>>
    %dma_start3A_9 = arith.constant 0 : i32
    %dma_start3A_10 = arith.constant 0 : i32
    %dma_start3A_11 = tpu.memref_slice %arg2[%dma_start3A_9, %dma_start3A_10] : memref<24576x2048xf32, #tpu.memory_space<hbm>> -> memref<24576x2048xf32, #tpu.memory_space<hbm>>
    tpu.enqueue_indirect_dma source(%dma_start3A_11 : memref<24576x2048xf32, #tpu.memory_space<hbm>>) target(%arg7 : memref<8x2048xf32, #tpu.memory_space<vmem>>) offsets(%dma_start3A_8 : memref<8xi32, #tpu.memory_space<vmem>>) semaphore(%arg9 : memref<!tpu.dma_semaphore, #tpu.memory_space<semaphore_mem>>)
    %dma_wait3A = arith.constant 0 : i32
    %dma_wait3A_12 = tpu.memref_slice %arg5[%dma_wait3A] : memref<104xi32, #tpu.memory_space<vmem>> -> memref<8xi32, #tpu.memory_space<vmem>>
    %dma_wait3A_13 = arith.constant 0 : i32
    %dma_wait3A_14 = arith.constant 0 : i32
    %dma_wait3A_15 = tpu.memref_slice %arg2[%dma_wait3A_13, %dma_wait3A_14] : memref<24576x2048xf32, #tpu.memory_space<hbm>> -> memref<24576x2048xf32, #tpu.memory_space<hbm>>
    tpu.wait_indirect_dma semaphore(%arg8 : memref<!tpu.dma_semaphore, #tpu.memory_space<semaphore_mem>>) src(%dma_wait3A_15 : memref<24576x2048xf32, #tpu.memory_space<hbm>>) dst(%arg6 : memref<8x2048xf32, #tpu.memory_space<vmem>>)
    %add3A_16 = arith.constant 0 : i32
    %add3A_17 = arith.addi %mul3A_2, %add3A_16 : i32
    "tpu.region"() ({
      %run_scoped3A = tpu.sem_alloc : memref<!tpu.dma_semaphore, #tpu.memory_space<semaphore_mem>>
      %dma_start3A_157 = arith.constant 0 : i32
      %dma_start3A_158 = tpu.memref_slice %arg4[%add3A_17, %dma_start3A_157] : memref<3328x2048xf32, #tpu.memory_space<hbm>> -> memref<8x2048xf32, #tpu.memory_space<hbm>>
      %dma_start3A_159 = arith.constant 0 : i32
      %dma_start3A_160 = tpu.memref_slice %arg4[%add3A_17, %dma_start3A_159] : memref<3328x2048xf32, #tpu.memory_space<hbm>> -> memref<8x2048xf32, #tpu.memory_space<hbm>>
      tpu.enqueue_dma source(%arg6 : memref<8x2048xf32, #tpu.memory_space<vmem>>) target(%dma_start3A_160 : memref<8x2048xf32, #tpu.memory_space<hbm>>) target_semaphore(%run_scoped3A : memref<!tpu.dma_semaphore, #tpu.memory_space<semaphore_mem>>)
      %dma_wait3A_161 = arith.constant 0 : i32
      %dma_wait3A_162 = tpu.memref_slice %arg4[%add3A_17, %dma_wait3A_161] : memref<3328x2048xf32, #tpu.memory_space<hbm>> -> memref<8x2048xf32, #tpu.memory_space<hbm>>
      %dma_wait3A_163 = arith.constant 0 : i32
      %dma_wait3A_164 = tpu.memref_slice %arg4[%add3A_17, %dma_wait3A_163] : memref<3328x2048xf32, #tpu.memory_space<hbm>> -> memref<8x2048xf32, #tpu.memory_space<hbm>>
      tpu.wait_dma2 semaphore(%run_scoped3A : memref<!tpu.dma_semaphore, #tpu.memory_space<semaphore_mem>>) src(%arg6 : memref<8x2048xf32, #tpu.memory_space<vmem>>) dst(%dma_wait3A_164 : memref<8x2048xf32, #tpu.memory_space<hbm>>)
      tpu.yield
    }) : () -> ()
    %dma_start3A_18 = arith.constant 16 : i32
    %dma_start3A_19 = tpu.memref_slice %arg5[%dma_start3A_18] : memref<104xi32, #tpu.memory_space<vmem>> -> memref<8xi32, #tpu.memory_space<vmem>>
    %dma_start3A_20 = arith.constant 0 : i32
    %dma_start3A_21 = arith.constant 0 : i32
    %dma_start3A_22 = tpu.memref_slice %arg2[%dma_start3A_20, %dma_start3A_21] : memref<24576x2048xf32, #tpu.memory_space<hbm>> -> memref<24576x2048xf32, #tpu.memory_space<hbm>>
    tpu.enqueue_indirect_dma source(%dma_start3A_22 : memref<24576x2048xf32, #tpu.memory_space<hbm>>) target(%arg6 : memref<8x2048xf32, #tpu.memory_space<vmem>>) offsets(%dma_start3A_19 : memref<8xi32, #tpu.memory_space<vmem>>) semaphore(%arg8 : memref<!tpu.dma_semaphore, #tpu.memory_space<semaphore_mem>>)
    %dma_wait3A_23 = arith.constant 8 : i32
    %dma_wait3A_24 = tpu.memref_slice %arg5[%dma_wait3A_23] : memref<104xi32, #tpu.memory_space<vmem>> -> memref<8xi32, #tpu.memory_space<vmem>>
    %dma_wait3A_25 = arith.constant 0 : i32
    %dma_wait3A_26 = arith.constant 0 : i32
    %dma_wait3A_27 = tpu.memref_slice %arg2[%dma_wait3A_25, %dma_wait3A_26] : memref<24576x2048xf32, #tpu.memory_space<hbm>> -> memref<24576x2048xf32, #tpu.memory_space<hbm>>
    tpu.wait_indirect_dma semaphore(%arg9 : memref<!tpu.dma_semaphore, #tpu.memory_space<semaphore_mem>>) src(%dma_wait3A_27 : memref<24576x2048xf32, #tpu.memory_space<hbm>>) dst(%arg7 : memref<8x2048xf32, #tpu.memory_space<vmem>>)
    %add3A_28 = arith.constant 8 : i32
    %add3A_29 = arith.addi %mul3A_2, %add3A_28 : i32
    "tpu.region"() ({
      %run_scoped3A = tpu.sem_alloc : memref<!tpu.dma_semaphore, #tpu.memory_space<semaphore_mem>>
      %dma_start3A_157 = arith.constant 0 : i32
      %dma_start3A_158 = tpu.memref_slice %arg4[%add3A_29, %dma_start3A_157] : memref<3328x2048xf32, #tpu.memory_space<hbm>> -> memref<8x2048xf32, #tpu.memory_space<hbm>>
      %dma_start3A_159 = arith.constant 0 : i32
      %dma_start3A_160 = tpu.memref_slice %arg4[%add3A_29, %dma_start3A_159] : memref<3328x2048xf32, #tpu.memory_space<hbm>> -> memref<8x2048xf32, #tpu.memory_space<hbm>>
      tpu.enqueue_dma source(%arg7 : memref<8x2048xf32, #tpu.memory_space<vmem>>) target(%dma_start3A_160 : memref<8x2048xf32, #tpu.memory_space<hbm>>) target_semaphore(%run_scoped3A : memref<!tpu.dma_semaphore, #tpu.memory_space<semaphore_mem>>)
      %dma_wait3A_161 = arith.constant 0 : i32
      %dma_wait3A_162 = tpu.memref_slice %arg4[%add3A_29, %dma_wait3A_161] : memref<3328x2048xf32, #tpu.memory_space<hbm>> -> memref<8x2048xf32, #tpu.memory_space<hbm>>
      %dma_wait3A_163 = arith.constant 0 : i32
      %dma_wait3A_164 = tpu.memref_slice %arg4[%add3A_29, %dma_wait3A_163] : memref<3328x2048xf32, #tpu.memory_space<hbm>> -> memref<8x2048xf32, #tpu.memory_space<hbm>>
      tpu.wait_dma2 semaphore(%run_scoped3A : memref<!tpu.dma_semaphore, #tpu.memory_space<semaphore_mem>>) src(%arg7 : memref<8x2048xf32, #tpu.memory_space<vmem>>) dst(%dma_wait3A_164 : memref<8x2048xf32, #tpu.memory_space<hbm>>)
      tpu.yield
    }) : () -> ()
    %dma_start3A_30 = arith.constant 24 : i32
    %dma_start3A_31 = tpu.memref_slice %arg5[%dma_start3A_30] : memref<104xi32, #tpu.memory_space<vmem>> -> memref<8xi32, #tpu.memory_space<vmem>>
    %dma_start3A_32 = arith.constant 0 : i32
    %dma_start3A_33 = arith.constant 0 : i32
    %dma_start3A_34 = tpu.memref_slice %arg2[%dma_start3A_32, %dma_start3A_33] : memref<24576x2048xf32, #tpu.memory_space<hbm>> -> memref<24576x2048xf32, #tpu.memory_space<hbm>>
    tpu.enqueue_indirect_dma source(%dma_start3A_34 : memref<24576x2048xf32, #tpu.memory_space<hbm>>) target(%arg7 : memref<8x2048xf32, #tpu.memory_space<vmem>>) offsets(%dma_start3A_31 : memref<8xi32, #tpu.memory_space<vmem>>) semaphore(%arg9 : memref<!tpu.dma_semaphore, #tpu.memory_space<semaphore_mem>>)
    %dma_wait3A_35 = arith.constant 16 : i32
    %dma_wait3A_36 = tpu.memref_slice %arg5[%dma_wait3A_35] : memref<104xi32, #tpu.memory_space<vmem>> -> memref<8xi32, #tpu.memory_space<vmem>>
    %dma_wait3A_37 = arith.constant 0 : i32
    %dma_wait3A_38 = arith.constant 0 : i32
    %dma_wait3A_39 = tpu.memref_slice %arg2[%dma_wait3A_37, %dma_wait3A_38] : memref<24576x2048xf32, #tpu.memory_space<hbm>> -> memref<24576x2048xf32, #tpu.memory_space<hbm>>
    tpu.wait_indirect_dma semaphore(%arg8 : memref<!tpu.dma_semaphore, #tpu.memory_space<semaphore_mem>>) src(%dma_wait3A_39 : memref<24576x2048xf32, #tpu.memory_space<hbm>>) dst(%arg6 : memref<8x2048xf32, #tpu.memory_space<vmem>>)
    %add3A_40 = arith.constant 16 : i32
    %add3A_41 = arith.addi %mul3A_2, %add3A_40 : i32
    "tpu.region"() ({
      %run_scoped3A = tpu.sem_alloc : memref<!tpu.dma_semaphore, #tpu.memory_space<semaphore_mem>>
      %dma_start3A_157 = arith.constant 0 : i32
      %dma_start3A_158 = tpu.memref_slice %arg4[%add3A_41, %dma_start3A_157] : memref<3328x2048xf32, #tpu.memory_space<hbm>> -> memref<8x2048xf32, #tpu.memory_space<hbm>>
      %dma_start3A_159 = arith.constant 0 : i32
      %dma_start3A_160 = tpu.memref_slice %arg4[%add3A_41, %dma_start3A_159] : memref<3328x2048xf32, #tpu.memory_space<hbm>> -> memref<8x2048xf32, #tpu.memory_space<hbm>>
      tpu.enqueue_dma source(%arg6 : memref<8x2048xf32, #tpu.memory_space<vmem>>) target(%dma_start3A_160 : memref<8x2048xf32, #tpu.memory_space<hbm>>) target_semaphore(%run_scoped3A : memref<!tpu.dma_semaphore, #tpu.memory_space<semaphore_mem>>)
      %dma_wait3A_161 = arith.constant 0 : i32
      %dma_wait3A_162 = tpu.memref_slice %arg4[%add3A_41, %dma_wait3A_161] : memref<3328x2048xf32, #tpu.memory_space<hbm>> -> memref<8x2048xf32, #tpu.memory_space<hbm>>
      %dma_wait3A_163 = arith.constant 0 : i32
      %dma_wait3A_164 = tpu.memref_slice %arg4[%add3A_41, %dma_wait3A_163] : memref<3328x2048xf32, #tpu.memory_space<hbm>> -> memref<8x2048xf32, #tpu.memory_space<hbm>>
      tpu.wait_dma2 semaphore(%run_scoped3A : memref<!tpu.dma_semaphore, #tpu.memory_space<semaphore_mem>>) src(%arg6 : memref<8x2048xf32, #tpu.memory_space<vmem>>) dst(%dma_wait3A_164 : memref<8x2048xf32, #tpu.memory_space<hbm>>)
      tpu.yield
    }) : () -> ()
    %dma_start3A_42 = arith.constant 32 : i32
    %dma_start3A_43 = tpu.memref_slice %arg5[%dma_start3A_42] : memref<104xi32, #tpu.memory_space<vmem>> -> memref<8xi32, #tpu.memory_space<vmem>>
    %dma_start3A_44 = arith.constant 0 : i32
    %dma_start3A_45 = arith.constant 0 : i32
    %dma_start3A_46 = tpu.memref_slice %arg2[%dma_start3A_44, %dma_start3A_45] : memref<24576x2048xf32, #tpu.memory_space<hbm>> -> memref<24576x2048xf32, #tpu.memory_space<hbm>>
    tpu.enqueue_indirect_dma source(%dma_start3A_46 : memref<24576x2048xf32, #tpu.memory_space<hbm>>) target(%arg6 : memref<8x2048xf32, #tpu.memory_space<vmem>>) offsets(%dma_start3A_43 : memref<8xi32, #tpu.memory_space<vmem>>) semaphore(%arg8 : memref<!tpu.dma_semaphore, #tpu.memory_space<semaphore_mem>>)
    %dma_wait3A_47 = arith.constant 24 : i32
    %dma_wait3A_48 = tpu.memref_slice %arg5[%dma_wait3A_47] : memref<104xi32, #tpu.memory_space<vmem>> -> memref<8xi32, #tpu.memory_space<vmem>>
    %dma_wait3A_49 = arith.constant 0 : i32
    %dma_wait3A_50 = arith.constant 0 : i32
    %dma_wait3A_51 = tpu.memref_slice %arg2[%dma_wait3A_49, %dma_wait3A_50] : memref<24576x2048xf32, #tpu.memory_space<hbm>> -> memref<24576x2048xf32, #tpu.memory_space<hbm>>
    tpu.wait_indirect_dma semaphore(%arg9 : memref<!tpu.dma_semaphore, #tpu.memory_space<semaphore_mem>>) src(%dma_wait3A_51 : memref<24576x2048xf32, #tpu.memory_space<hbm>>) dst(%arg7 : memref<8x2048xf32, #tpu.memory_space<vmem>>)
    %add3A_52 = arith.constant 24 : i32
    %add3A_53 = arith.addi %mul3A_2, %add3A_52 : i32
    "tpu.region"() ({
      %run_scoped3A = tpu.sem_alloc : memref<!tpu.dma_semaphore, #tpu.memory_space<semaphore_mem>>
      %dma_start3A_157 = arith.constant 0 : i32
      %dma_start3A_158 = tpu.memref_slice %arg4[%add3A_53, %dma_start3A_157] : memref<3328x2048xf32, #tpu.memory_space<hbm>> -> memref<8x2048xf32, #tpu.memory_space<hbm>>
      %dma_start3A_159 = arith.constant 0 : i32
      %dma_start3A_160 = tpu.memref_slice %arg4[%add3A_53, %dma_start3A_159] : memref<3328x2048xf32, #tpu.memory_space<hbm>> -> memref<8x2048xf32, #tpu.memory_space<hbm>>
      tpu.enqueue_dma source(%arg7 : memref<8x2048xf32, #tpu.memory_space<vmem>>) target(%dma_start3A_160 : memref<8x2048xf32, #tpu.memory_space<hbm>>) target_semaphore(%run_scoped3A : memref<!tpu.dma_semaphore, #tpu.memory_space<semaphore_mem>>)
      %dma_wait3A_161 = arith.constant 0 : i32
      %dma_wait3A_162 = tpu.memref_slice %arg4[%add3A_53, %dma_wait3A_161] : memref<3328x2048xf32, #tpu.memory_space<hbm>> -> memref<8x2048xf32, #tpu.memory_space<hbm>>
      %dma_wait3A_163 = arith.constant 0 : i32
      %dma_wait3A_164 = tpu.memref_slice %arg4[%add3A_53, %dma_wait3A_163] : memref<3328x2048xf32, #tpu.memory_space<hbm>> -> memref<8x2048xf32, #tpu.memory_space<hbm>>
      tpu.wait_dma2 semaphore(%run_scoped3A : memref<!tpu.dma_semaphore, #tpu.memory_space<semaphore_mem>>) src(%arg7 : memref<8x2048xf32, #tpu.memory_space<vmem>>) dst(%dma_wait3A_164 : memref<8x2048xf32, #tpu.memory_space<hbm>>)
      tpu.yield
    }) : () -> ()
    %dma_start3A_54 = arith.constant 40 : i32
    %dma_start3A_55 = tpu.memref_slice %arg5[%dma_start3A_54] : memref<104xi32, #tpu.memory_space<vmem>> -> memref<8xi32, #tpu.memory_space<vmem>>
    %dma_start3A_56 = arith.constant 0 : i32
    %dma_start3A_57 = arith.constant 0 : i32
    %dma_start3A_58 = tpu.memref_slice %arg2[%dma_start3A_56, %dma_start3A_57] : memref<24576x2048xf32, #tpu.memory_space<hbm>> -> memref<24576x2048xf32, #tpu.memory_space<hbm>>
    tpu.enqueue_indirect_dma source(%dma_start3A_58 : memref<24576x2048xf32, #tpu.memory_space<hbm>>) target(%arg7 : memref<8x2048xf32, #tpu.memory_space<vmem>>) offsets(%dma_start3A_55 : memref<8xi32, #tpu.memory_space<vmem>>) semaphore(%arg9 : memref<!tpu.dma_semaphore, #tpu.memory_space<semaphore_mem>>)
    %dma_wait3A_59 = arith.constant 32 : i32
    %dma_wait3A_60 = tpu.memref_slice %arg5[%dma_wait3A_59] : memref<104xi32, #tpu.memory_space<vmem>> -> memref<8xi32, #tpu.memory_space<vmem>>
    %dma_wait3A_61 = arith.constant 0 : i32
    %dma_wait3A_62 = arith.constant 0 : i32
    %dma_wait3A_63 = tpu.memref_slice %arg2[%dma_wait3A_61, %dma_wait3A_62] : memref<24576x2048xf32, #tpu.memory_space<hbm>> -> memref<24576x2048xf32, #tpu.memory_space<hbm>>
    tpu.wait_indirect_dma semaphore(%arg8 : memref<!tpu.dma_semaphore, #tpu.memory_space<semaphore_mem>>) src(%dma_wait3A_63 : memref<24576x2048xf32, #tpu.memory_space<hbm>>) dst(%arg6 : memref<8x2048xf32, #tpu.memory_space<vmem>>)
    %add3A_64 = arith.constant 32 : i32
    %add3A_65 = arith.addi %mul3A_2, %add3A_64 : i32
    "tpu.region"() ({
      %run_scoped3A = tpu.sem_alloc : memref<!tpu.dma_semaphore, #tpu.memory_space<semaphore_mem>>
      %dma_start3A_157 = arith.constant 0 : i32
      %dma_start3A_158 = tpu.memref_slice %arg4[%add3A_65, %dma_start3A_157] : memref<3328x2048xf32, #tpu.memory_space<hbm>> -> memref<8x2048xf32, #tpu.memory_space<hbm>>
      %dma_start3A_159 = arith.constant 0 : i32
      %dma_start3A_160 = tpu.memref_slice %arg4[%add3A_65, %dma_start3A_159] : memref<3328x2048xf32, #tpu.memory_space<hbm>> -> memref<8x2048xf32, #tpu.memory_space<hbm>>
      tpu.enqueue_dma source(%arg6 : memref<8x2048xf32, #tpu.memory_space<vmem>>) target(%dma_start3A_160 : memref<8x2048xf32, #tpu.memory_space<hbm>>) target_semaphore(%run_scoped3A : memref<!tpu.dma_semaphore, #tpu.memory_space<semaphore_mem>>)
      %dma_wait3A_161 = arith.constant 0 : i32
      %dma_wait3A_162 = tpu.memref_slice %arg4[%add3A_65, %dma_wait3A_161] : memref<3328x2048xf32, #tpu.memory_space<hbm>> -> memref<8x2048xf32, #tpu.memory_space<hbm>>
      %dma_wait3A_163 = arith.constant 0 : i32
      %dma_wait3A_164 = tpu.memref_slice %arg4[%add3A_65, %dma_wait3A_163] : memref<3328x2048xf32, #tpu.memory_space<hbm>> -> memref<8x2048xf32, #tpu.memory_space<hbm>>
      tpu.wait_dma2 semaphore(%run_scoped3A : memref<!tpu.dma_semaphore, #tpu.memory_space<semaphore_mem>>) src(%arg6 : memref<8x2048xf32, #tpu.memory_space<vmem>>) dst(%dma_wait3A_164 : memref<8x2048xf32, #tpu.memory_space<hbm>>)
      tpu.yield
    }) : () -> ()
    %dma_start3A_66 = arith.constant 48 : i32
    %dma_start3A_67 = tpu.memref_slice %arg5[%dma_start3A_66] : memref<104xi32, #tpu.memory_space<vmem>> -> memref<8xi32, #tpu.memory_space<vmem>>
    %dma_start3A_68 = arith.constant 0 : i32
    %dma_start3A_69 = arith.constant 0 : i32
    %dma_start3A_70 = tpu.memref_slice %arg2[%dma_start3A_68, %dma_start3A_69] : memref<24576x2048xf32, #tpu.memory_space<hbm>> -> memref<24576x2048xf32, #tpu.memory_space<hbm>>
    tpu.enqueue_indirect_dma source(%dma_start3A_70 : memref<24576x2048xf32, #tpu.memory_space<hbm>>) target(%arg6 : memref<8x2048xf32, #tpu.memory_space<vmem>>) offsets(%dma_start3A_67 : memref<8xi32, #tpu.memory_space<vmem>>) semaphore(%arg8 : memref<!tpu.dma_semaphore, #tpu.memory_space<semaphore_mem>>)
    %dma_wait3A_71 = arith.constant 40 : i32
    %dma_wait3A_72 = tpu.memref_slice %arg5[%dma_wait3A_71] : memref<104xi32, #tpu.memory_space<vmem>> -> memref<8xi32, #tpu.memory_space<vmem>>
    %dma_wait3A_73 = arith.constant 0 : i32
    %dma_wait3A_74 = arith.constant 0 : i32
    %dma_wait3A_75 = tpu.memref_slice %arg2[%dma_wait3A_73, %dma_wait3A_74] : memref<24576x2048xf32, #tpu.memory_space<hbm>> -> memref<24576x2048xf32, #tpu.memory_space<hbm>>
    tpu.wait_indirect_dma semaphore(%arg9 : memref<!tpu.dma_semaphore, #tpu.memory_space<semaphore_mem>>) src(%dma_wait3A_75 : memref<24576x2048xf32, #tpu.memory_space<hbm>>) dst(%arg7 : memref<8x2048xf32, #tpu.memory_space<vmem>>)
    %add3A_76 = arith.constant 40 : i32
    %add3A_77 = arith.addi %mul3A_2, %add3A_76 : i32
    "tpu.region"() ({
      %run_scoped3A = tpu.sem_alloc : memref<!tpu.dma_semaphore, #tpu.memory_space<semaphore_mem>>
      %dma_start3A_157 = arith.constant 0 : i32
      %dma_start3A_158 = tpu.memref_slice %arg4[%add3A_77, %dma_start3A_157] : memref<3328x2048xf32, #tpu.memory_space<hbm>> -> memref<8x2048xf32, #tpu.memory_space<hbm>>
      %dma_start3A_159 = arith.constant 0 : i32
      %dma_start3A_160 = tpu.memref_slice %arg4[%add3A_77, %dma_start3A_159] : memref<3328x2048xf32, #tpu.memory_space<hbm>> -> memref<8x2048xf32, #tpu.memory_space<hbm>>
      tpu.enqueue_dma source(%arg7 : memref<8x2048xf32, #tpu.memory_space<vmem>>) target(%dma_start3A_160 : memref<8x2048xf32, #tpu.memory_space<hbm>>) target_semaphore(%run_scoped3A : memref<!tpu.dma_semaphore, #tpu.memory_space<semaphore_mem>>)
      %dma_wait3A_161 = arith.constant 0 : i32
      %dma_wait3A_162 = tpu.memref_slice %arg4[%add3A_77, %dma_wait3A_161] : memref<3328x2048xf32, #tpu.memory_space<hbm>> -> memref<8x2048xf32, #tpu.memory_space<hbm>>
      %dma_wait3A_163 = arith.constant 0 : i32
      %dma_wait3A_164 = tpu.memref_slice %arg4[%add3A_77, %dma_wait3A_163] : memref<3328x2048xf32, #tpu.memory_space<hbm>> -> memref<8x2048xf32, #tpu.memory_space<hbm>>
      tpu.wait_dma2 semaphore(%run_scoped3A : memref<!tpu.dma_semaphore, #tpu.memory_space<semaphore_mem>>) src(%arg7 : memref<8x2048xf32, #tpu.memory_space<vmem>>) dst(%dma_wait3A_164 : memref<8x2048xf32, #tpu.memory_space<hbm>>)
      tpu.yield
    }) : () -> ()
    %dma_start3A_78 = arith.constant 56 : i32
    %dma_start3A_79 = tpu.memref_slice %arg5[%dma_start3A_78] : memref<104xi32, #tpu.memory_space<vmem>> -> memref<8xi32, #tpu.memory_space<vmem>>
    %dma_start3A_80 = arith.constant 0 : i32
    %dma_start3A_81 = arith.constant 0 : i32
    %dma_start3A_82 = tpu.memref_slice %arg2[%dma_start3A_80, %dma_start3A_81] : memref<24576x2048xf32, #tpu.memory_space<hbm>> -> memref<24576x2048xf32, #tpu.memory_space<hbm>>
    tpu.enqueue_indirect_dma source(%dma_start3A_82 : memref<24576x2048xf32, #tpu.memory_space<hbm>>) target(%arg7 : memref<8x2048xf32, #tpu.memory_space<vmem>>) offsets(%dma_start3A_79 : memref<8xi32, #tpu.memory_space<vmem>>) semaphore(%arg9 : memref<!tpu.dma_semaphore, #tpu.memory_space<semaphore_mem>>)
    %dma_wait3A_83 = arith.constant 48 : i32
    %dma_wait3A_84 = tpu.memref_slice %arg5[%dma_wait3A_83] : memref<104xi32, #tpu.memory_space<vmem>> -> memref<8xi32, #tpu.memory_space<vmem>>
    %dma_wait3A_85 = arith.constant 0 : i32
    %dma_wait3A_86 = arith.constant 0 : i32
    %dma_wait3A_87 = tpu.memref_slice %arg2[%dma_wait3A_85, %dma_wait3A_86] : memref<24576x2048xf32, #tpu.memory_space<hbm>> -> memref<24576x2048xf32, #tpu.memory_space<hbm>>
    tpu.wait_indirect_dma semaphore(%arg8 : memref<!tpu.dma_semaphore, #tpu.memory_space<semaphore_mem>>) src(%dma_wait3A_87 : memref<24576x2048xf32, #tpu.memory_space<hbm>>) dst(%arg6 : memref<8x2048xf32, #tpu.memory_space<vmem>>)
    %add3A_88 = arith.constant 48 : i32
    %add3A_89 = arith.addi %mul3A_2, %add3A_88 : i32
    "tpu.region"() ({
      %run_scoped3A = tpu.sem_alloc : memref<!tpu.dma_semaphore, #tpu.memory_space<semaphore_mem>>
      %dma_start3A_157 = arith.constant 0 : i32
      %dma_start3A_158 = tpu.memref_slice %arg4[%add3A_89, %dma_start3A_157] : memref<3328x2048xf32, #tpu.memory_space<hbm>> -> memref<8x2048xf32, #tpu.memory_space<hbm>>
      %dma_start3A_159 = arith.constant 0 : i32
      %dma_start3A_160 = tpu.memref_slice %arg4[%add3A_89, %dma_start3A_159] : memref<3328x2048xf32, #tpu.memory_space<hbm>> -> memref<8x2048xf32, #tpu.memory_space<hbm>>
      tpu.enqueue_dma source(%arg6 : memref<8x2048xf32, #tpu.memory_space<vmem>>) target(%dma_start3A_160 : memref<8x2048xf32, #tpu.memory_space<hbm>>) target_semaphore(%run_scoped3A : memref<!tpu.dma_semaphore, #tpu.memory_space<semaphore_mem>>)
      %dma_wait3A_161 = arith.constant 0 : i32
      %dma_wait3A_162 = tpu.memref_slice %arg4[%add3A_89, %dma_wait3A_161] : memref<3328x2048xf32, #tpu.memory_space<hbm>> -> memref<8x2048xf32, #tpu.memory_space<hbm>>
      %dma_wait3A_163 = arith.constant 0 : i32
      %dma_wait3A_164 = tpu.memref_slice %arg4[%add3A_89, %dma_wait3A_163] : memref<3328x2048xf32, #tpu.memory_space<hbm>> -> memref<8x2048xf32, #tpu.memory_space<hbm>>
      tpu.wait_dma2 semaphore(%run_scoped3A : memref<!tpu.dma_semaphore, #tpu.memory_space<semaphore_mem>>) src(%arg6 : memref<8x2048xf32, #tpu.memory_space<vmem>>) dst(%dma_wait3A_164 : memref<8x2048xf32, #tpu.memory_space<hbm>>)
      tpu.yield
    }) : () -> ()
    %dma_start3A_90 = arith.constant 64 : i32
    %dma_start3A_91 = tpu.memref_slice %arg5[%dma_start3A_90] : memref<104xi32, #tpu.memory_space<vmem>> -> memref<8xi32, #tpu.memory_space<vmem>>
    %dma_start3A_92 = arith.constant 0 : i32
    %dma_start3A_93 = arith.constant 0 : i32
    %dma_start3A_94 = tpu.memref_slice %arg2[%dma_start3A_92, %dma_start3A_93] : memref<24576x2048xf32, #tpu.memory_space<hbm>> -> memref<24576x2048xf32, #tpu.memory_space<hbm>>
    tpu.enqueue_indirect_dma source(%dma_start3A_94 : memref<24576x2048xf32, #tpu.memory_space<hbm>>) target(%arg6 : memref<8x2048xf32, #tpu.memory_space<vmem>>) offsets(%dma_start3A_91 : memref<8xi32, #tpu.memory_space<vmem>>) semaphore(%arg8 : memref<!tpu.dma_semaphore, #tpu.memory_space<semaphore_mem>>)
    %dma_wait3A_95 = arith.constant 56 : i32
    %dma_wait3A_96 = tpu.memref_slice %arg5[%dma_wait3A_95] : memref<104xi32, #tpu.memory_space<vmem>> -> memref<8xi32, #tpu.memory_space<vmem>>
    %dma_wait3A_97 = arith.constant 0 : i32
    %dma_wait3A_98 = arith.constant 0 : i32
    %dma_wait3A_99 = tpu.memref_slice %arg2[%dma_wait3A_97, %dma_wait3A_98] : memref<24576x2048xf32, #tpu.memory_space<hbm>> -> memref<24576x2048xf32, #tpu.memory_space<hbm>>
    tpu.wait_indirect_dma semaphore(%arg9 : memref<!tpu.dma_semaphore, #tpu.memory_space<semaphore_mem>>) src(%dma_wait3A_99 : memref<24576x2048xf32, #tpu.memory_space<hbm>>) dst(%arg7 : memref<8x2048xf32, #tpu.memory_space<vmem>>)
    %add3A_100 = arith.constant 56 : i32
    %add3A_101 = arith.addi %mul3A_2, %add3A_100 : i32
    "tpu.region"() ({
      %run_scoped3A = tpu.sem_alloc : memref<!tpu.dma_semaphore, #tpu.memory_space<semaphore_mem>>
      %dma_start3A_157 = arith.constant 0 : i32
      %dma_start3A_158 = tpu.memref_slice %arg4[%add3A_101, %dma_start3A_157] : memref<3328x2048xf32, #tpu.memory_space<hbm>> -> memref<8x2048xf32, #tpu.memory_space<hbm>>
      %dma_start3A_159 = arith.constant 0 : i32
      %dma_start3A_160 = tpu.memref_slice %arg4[%add3A_101, %dma_start3A_159] : memref<3328x2048xf32, #tpu.memory_space<hbm>> -> memref<8x2048xf32, #tpu.memory_space<hbm>>
      tpu.enqueue_dma source(%arg7 : memref<8x2048xf32, #tpu.memory_space<vmem>>) target(%dma_start3A_160 : memref<8x2048xf32, #tpu.memory_space<hbm>>) target_semaphore(%run_scoped3A : memref<!tpu.dma_semaphore, #tpu.memory_space<semaphore_mem>>)
      %dma_wait3A_161 = arith.constant 0 : i32
      %dma_wait3A_162 = tpu.memref_slice %arg4[%add3A_101, %dma_wait3A_161] : memref<3328x2048xf32, #tpu.memory_space<hbm>> -> memref<8x2048xf32, #tpu.memory_space<hbm>>
      %dma_wait3A_163 = arith.constant 0 : i32
      %dma_wait3A_164 = tpu.memref_slice %arg4[%add3A_101, %dma_wait3A_163] : memref<3328x2048xf32, #tpu.memory_space<hbm>> -> memref<8x2048xf32, #tpu.memory_space<hbm>>
      tpu.wait_dma2 semaphore(%run_scoped3A : memref<!tpu.dma_semaphore, #tpu.memory_space<semaphore_mem>>) src(%arg7 : memref<8x2048xf32, #tpu.memory_space<vmem>>) dst(%dma_wait3A_164 : memref<8x2048xf32, #tpu.memory_space<hbm>>)
      tpu.yield
    }) : () -> ()
    %dma_start3A_102 = arith.constant 72 : i32
    %dma_start3A_103 = tpu.memref_slice %arg5[%dma_start3A_102] : memref<104xi32, #tpu.memory_space<vmem>> -> memref<8xi32, #tpu.memory_space<vmem>>
    %dma_start3A_104 = arith.constant 0 : i32
    %dma_start3A_105 = arith.constant 0 : i32
    %dma_start3A_106 = tpu.memref_slice %arg2[%dma_start3A_104, %dma_start3A_105] : memref<24576x2048xf32, #tpu.memory_space<hbm>> -> memref<24576x2048xf32, #tpu.memory_space<hbm>>
    tpu.enqueue_indirect_dma source(%dma_start3A_106 : memref<24576x2048xf32, #tpu.memory_space<hbm>>) target(%arg7 : memref<8x2048xf32, #tpu.memory_space<vmem>>) offsets(%dma_start3A_103 : memref<8xi32, #tpu.memory_space<vmem>>) semaphore(%arg9 : memref<!tpu.dma_semaphore, #tpu.memory_space<semaphore_mem>>)
    %dma_wait3A_107 = arith.constant 64 : i32
    %dma_wait3A_108 = tpu.memref_slice %arg5[%dma_wait3A_107] : memref<104xi32, #tpu.memory_space<vmem>> -> memref<8xi32, #tpu.memory_space<vmem>>
    %dma_wait3A_109 = arith.constant 0 : i32
    %dma_wait3A_110 = arith.constant 0 : i32
    %dma_wait3A_111 = tpu.memref_slice %arg2[%dma_wait3A_109, %dma_wait3A_110] : memref<24576x2048xf32, #tpu.memory_space<hbm>> -> memref<24576x2048xf32, #tpu.memory_space<hbm>>
    tpu.wait_indirect_dma semaphore(%arg8 : memref<!tpu.dma_semaphore, #tpu.memory_space<semaphore_mem>>) src(%dma_wait3A_111 : memref<24576x2048xf32, #tpu.memory_space<hbm>>) dst(%arg6 : memref<8x2048xf32, #tpu.memory_space<vmem>>)
    %add3A_112 = arith.constant 64 : i32
    %add3A_113 = arith.addi %mul3A_2, %add3A_112 : i32
    "tpu.region"() ({
      %run_scoped3A = tpu.sem_alloc : memref<!tpu.dma_semaphore, #tpu.memory_space<semaphore_mem>>
      %dma_start3A_157 = arith.constant 0 : i32
      %dma_start3A_158 = tpu.memref_slice %arg4[%add3A_113, %dma_start3A_157] : memref<3328x2048xf32, #tpu.memory_space<hbm>> -> memref<8x2048xf32, #tpu.memory_space<hbm>>
      %dma_start3A_159 = arith.constant 0 : i32
      %dma_start3A_160 = tpu.memref_slice %arg4[%add3A_113, %dma_start3A_159] : memref<3328x2048xf32, #tpu.memory_space<hbm>> -> memref<8x2048xf32, #tpu.memory_space<hbm>>
      tpu.enqueue_dma source(%arg6 : memref<8x2048xf32, #tpu.memory_space<vmem>>) target(%dma_start3A_160 : memref<8x2048xf32, #tpu.memory_space<hbm>>) target_semaphore(%run_scoped3A : memref<!tpu.dma_semaphore, #tpu.memory_space<semaphore_mem>>)
      %dma_wait3A_161 = arith.constant 0 : i32
      %dma_wait3A_162 = tpu.memref_slice %arg4[%add3A_113, %dma_wait3A_161] : memref<3328x2048xf32, #tpu.memory_space<hbm>> -> memref<8x2048xf32, #tpu.memory_space<hbm>>
      %dma_wait3A_163 = arith.constant 0 : i32
      %dma_wait3A_164 = tpu.memref_slice %arg4[%add3A_113, %dma_wait3A_163] : memref<3328x2048xf32, #tpu.memory_space<hbm>> -> memref<8x2048xf32, #tpu.memory_space<hbm>>
      tpu.wait_dma2 semaphore(%run_scoped3A : memref<!tpu.dma_semaphore, #tpu.memory_space<semaphore_mem>>) src(%arg6 : memref<8x2048xf32, #tpu.memory_space<vmem>>) dst(%dma_wait3A_164 : memref<8x2048xf32, #tpu.memory_space<hbm>>)
      tpu.yield
    }) : () -> ()
    %dma_start3A_114 = arith.constant 80 : i32
    %dma_start3A_115 = tpu.memref_slice %arg5[%dma_start3A_114] : memref<104xi32, #tpu.memory_space<vmem>> -> memref<8xi32, #tpu.memory_space<vmem>>
    %dma_start3A_116 = arith.constant 0 : i32
    %dma_start3A_117 = arith.constant 0 : i32
    %dma_start3A_118 = tpu.memref_slice %arg2[%dma_start3A_116, %dma_start3A_117] : memref<24576x2048xf32, #tpu.memory_space<hbm>> -> memref<24576x2048xf32, #tpu.memory_space<hbm>>
    tpu.enqueue_indirect_dma source(%dma_start3A_118 : memref<24576x2048xf32, #tpu.memory_space<hbm>>) target(%arg6 : memref<8x2048xf32, #tpu.memory_space<vmem>>) offsets(%dma_start3A_115 : memref<8xi32, #tpu.memory_space<vmem>>) semaphore(%arg8 : memref<!tpu.dma_semaphore, #tpu.memory_space<semaphore_mem>>)
    %dma_wait3A_119 = arith.constant 72 : i32
    %dma_wait3A_120 = tpu.memref_slice %arg5[%dma_wait3A_119] : memref<104xi32, #tpu.memory_space<vmem>> -> memref<8xi32, #tpu.memory_space<vmem>>
    %dma_wait3A_121 = arith.constant 0 : i32
    %dma_wait3A_122 = arith.constant 0 : i32
    %dma_wait3A_123 = tpu.memref_slice %arg2[%dma_wait3A_121, %dma_wait3A_122] : memref<24576x2048xf32, #tpu.memory_space<hbm>> -> memref<24576x2048xf32, #tpu.memory_space<hbm>>
    tpu.wait_indirect_dma semaphore(%arg9 : memref<!tpu.dma_semaphore, #tpu.memory_space<semaphore_mem>>) src(%dma_wait3A_123 : memref<24576x2048xf32, #tpu.memory_space<hbm>>) dst(%arg7 : memref<8x2048xf32, #tpu.memory_space<vmem>>)
    %add3A_124 = arith.constant 72 : i32
    %add3A_125 = arith.addi %mul3A_2, %add3A_124 : i32
    "tpu.region"() ({
      %run_scoped3A = tpu.sem_alloc : memref<!tpu.dma_semaphore, #tpu.memory_space<semaphore_mem>>
      %dma_start3A_157 = arith.constant 0 : i32
      %dma_start3A_158 = tpu.memref_slice %arg4[%add3A_125, %dma_start3A_157] : memref<3328x2048xf32, #tpu.memory_space<hbm>> -> memref<8x2048xf32, #tpu.memory_space<hbm>>
      %dma_start3A_159 = arith.constant 0 : i32
      %dma_start3A_160 = tpu.memref_slice %arg4[%add3A_125, %dma_start3A_159] : memref<3328x2048xf32, #tpu.memory_space<hbm>> -> memref<8x2048xf32, #tpu.memory_space<hbm>>
      tpu.enqueue_dma source(%arg7 : memref<8x2048xf32, #tpu.memory_space<vmem>>) target(%dma_start3A_160 : memref<8x2048xf32, #tpu.memory_space<hbm>>) target_semaphore(%run_scoped3A : memref<!tpu.dma_semaphore, #tpu.memory_space<semaphore_mem>>)
      %dma_wait3A_161 = arith.constant 0 : i32
      %dma_wait3A_162 = tpu.memref_slice %arg4[%add3A_125, %dma_wait3A_161] : memref<3328x2048xf32, #tpu.memory_space<hbm>> -> memref<8x2048xf32, #tpu.memory_space<hbm>>
      %dma_wait3A_163 = arith.constant 0 : i32
      %dma_wait3A_164 = tpu.memref_slice %arg4[%add3A_125, %dma_wait3A_163] : memref<3328x2048xf32, #tpu.memory_space<hbm>> -> memref<8x2048xf32, #tpu.memory_space<hbm>>
      tpu.wait_dma2 semaphore(%run_scoped3A : memref<!tpu.dma_semaphore, #tpu.memory_space<semaphore_mem>>) src(%arg7 : memref<8x2048xf32, #tpu.memory_space<vmem>>) dst(%dma_wait3A_164 : memref<8x2048xf32, #tpu.memory_space<hbm>>)
      tpu.yield
    }) : () -> ()
    %dma_start3A_126 = arith.constant 88 : i32
    %dma_start3A_127 = tpu.memref_slice %arg5[%dma_start3A_126] : memref<104xi32, #tpu.memory_space<vmem>> -> memref<8xi32, #tpu.memory_space<vmem>>
    %dma_start3A_128 = arith.constant 0 : i32
    %dma_start3A_129 = arith.constant 0 : i32
    %dma_start3A_130 = tpu.memref_slice %arg2[%dma_start3A_128, %dma_start3A_129] : memref<24576x2048xf32, #tpu.memory_space<hbm>> -> memref<24576x2048xf32, #tpu.memory_space<hbm>>
    tpu.enqueue_indirect_dma source(%dma_start3A_130 : memref<24576x2048xf32, #tpu.memory_space<hbm>>) target(%arg7 : memref<8x2048xf32, #tpu.memory_space<vmem>>) offsets(%dma_start3A_127 : memref<8xi32, #tpu.memory_space<vmem>>) semaphore(%arg9 : memref<!tpu.dma_semaphore, #tpu.memory_space<semaphore_mem>>)
    %dma_wait3A_131 = arith.constant 80 : i32
    %dma_wait3A_132 = tpu.memref_slice %arg5[%dma_wait3A_131] : memref<104xi32, #tpu.memory_space<vmem>> -> memref<8xi32, #tpu.memory_space<vmem>>
    %dma_wait3A_133 = arith.constant 0 : i32
    %dma_wait3A_134 = arith.constant 0 : i32
    %dma_wait3A_135 = tpu.memref_slice %arg2[%dma_wait3A_133, %dma_wait3A_134] : memref<24576x2048xf32, #tpu.memory_space<hbm>> -> memref<24576x2048xf32, #tpu.memory_space<hbm>>
    tpu.wait_indirect_dma semaphore(%arg8 : memref<!tpu.dma_semaphore, #tpu.memory_space<semaphore_mem>>) src(%dma_wait3A_135 : memref<24576x2048xf32, #tpu.memory_space<hbm>>) dst(%arg6 : memref<8x2048xf32, #tpu.memory_space<vmem>>)
    %add3A_136 = arith.constant 80 : i32
    %add3A_137 = arith.addi %mul3A_2, %add3A_136 : i32
    "tpu.region"() ({
      %run_scoped3A = tpu.sem_alloc : memref<!tpu.dma_semaphore, #tpu.memory_space<semaphore_mem>>
      %dma_start3A_157 = arith.constant 0 : i32
      %dma_start3A_158 = tpu.memref_slice %arg4[%add3A_137, %dma_start3A_157] : memref<3328x2048xf32, #tpu.memory_space<hbm>> -> memref<8x2048xf32, #tpu.memory_space<hbm>>
      %dma_start3A_159 = arith.constant 0 : i32
      %dma_start3A_160 = tpu.memref_slice %arg4[%add3A_137, %dma_start3A_159] : memref<3328x2048xf32, #tpu.memory_space<hbm>> -> memref<8x2048xf32, #tpu.memory_space<hbm>>
      tpu.enqueue_dma source(%arg6 : memref<8x2048xf32, #tpu.memory_space<vmem>>) target(%dma_start3A_160 : memref<8x2048xf32, #tpu.memory_space<hbm>>) target_semaphore(%run_scoped3A : memref<!tpu.dma_semaphore, #tpu.memory_space<semaphore_mem>>)
      %dma_wait3A_161 = arith.constant 0 : i32
      %dma_wait3A_162 = tpu.memref_slice %arg4[%add3A_137, %dma_wait3A_161] : memref<3328x2048xf32, #tpu.memory_space<hbm>> -> memref<8x2048xf32, #tpu.memory_space<hbm>>
      %dma_wait3A_163 = arith.constant 0 : i32
      %dma_wait3A_164 = tpu.memref_slice %arg4[%add3A_137, %dma_wait3A_163] : memref<3328x2048xf32, #tpu.memory_space<hbm>> -> memref<8x2048xf32, #tpu.memory_space<hbm>>
      tpu.wait_dma2 semaphore(%run_scoped3A : memref<!tpu.dma_semaphore, #tpu.memory_space<semaphore_mem>>) src(%arg6 : memref<8x2048xf32, #tpu.memory_space<vmem>>) dst(%dma_wait3A_164 : memref<8x2048xf32, #tpu.memory_space<hbm>>)
      tpu.yield
    }) : () -> ()
    %dma_start3A_138 = arith.constant 96 : i32
    %dma_start3A_139 = tpu.memref_slice %arg5[%dma_start3A_138] : memref<104xi32, #tpu.memory_space<vmem>> -> memref<8xi32, #tpu.memory_space<vmem>>
    %dma_start3A_140 = arith.constant 0 : i32
    %dma_start3A_141 = arith.constant 0 : i32
    %dma_start3A_142 = tpu.memref_slice %arg2[%dma_start3A_140, %dma_start3A_141] : memref<24576x2048xf32, #tpu.memory_space<hbm>> -> memref<24576x2048xf32, #tpu.memory_space<hbm>>
    tpu.enqueue_indirect_dma source(%dma_start3A_142 : memref<24576x2048xf32, #tpu.memory_space<hbm>>) target(%arg6 : memref<8x2048xf32, #tpu.memory_space<vmem>>) offsets(%dma_start3A_139 : memref<8xi32, #tpu.memory_space<vmem>>) semaphore(%arg8 : memref<!tpu.dma_semaphore, #tpu.memory_space<semaphore_mem>>)
    %dma_wait3A_143 = arith.constant 88 : i32
    %dma_wait3A_144 = tpu.memref_slice %arg5[%dma_wait3A_143] : memref<104xi32, #tpu.memory_space<vmem>> -> memref<8xi32, #tpu.memory_space<vmem>>
    %dma_wait3A_145 = arith.constant 0 : i32
    %dma_wait3A_146 = arith.constant 0 : i32
    %dma_wait3A_147 = tpu.memref_slice %arg2[%dma_wait3A_145, %dma_wait3A_146] : memref<24576x2048xf32, #tpu.memory_space<hbm>> -> memref<24576x2048xf32, #tpu.memory_space<hbm>>
    tpu.wait_indirect_dma semaphore(%arg9 : memref<!tpu.dma_semaphore, #tpu.memory_space<semaphore_mem>>) src(%dma_wait3A_147 : memref<24576x2048xf32, #tpu.memory_space<hbm>>) dst(%arg7 : memref<8x2048xf32, #tpu.memory_space<vmem>>)
    %add3A_148 = arith.constant 88 : i32
    %add3A_149 = arith.addi %mul3A_2, %add3A_148 : i32
    "tpu.region"() ({
      %run_scoped3A = tpu.sem_alloc : memref<!tpu.dma_semaphore, #tpu.memory_space<semaphore_mem>>
      %dma_start3A_157 = arith.constant 0 : i32
      %dma_start3A_158 = tpu.memref_slice %arg4[%add3A_149, %dma_start3A_157] : memref<3328x2048xf32, #tpu.memory_space<hbm>> -> memref<8x2048xf32, #tpu.memory_space<hbm>>
      %dma_start3A_159 = arith.constant 0 : i32
      %dma_start3A_160 = tpu.memref_slice %arg4[%add3A_149, %dma_start3A_159] : memref<3328x2048xf32, #tpu.memory_space<hbm>> -> memref<8x2048xf32, #tpu.memory_space<hbm>>
      tpu.enqueue_dma source(%arg7 : memref<8x2048xf32, #tpu.memory_space<vmem>>) target(%dma_start3A_160 : memref<8x2048xf32, #tpu.memory_space<hbm>>) target_semaphore(%run_scoped3A : memref<!tpu.dma_semaphore, #tpu.memory_space<semaphore_mem>>)
      %dma_wait3A_161 = arith.constant 0 : i32
      %dma_wait3A_162 = tpu.memref_slice %arg4[%add3A_149, %dma_wait3A_161] : memref<3328x2048xf32, #tpu.memory_space<hbm>> -> memref<8x2048xf32, #tpu.memory_space<hbm>>
      %dma_wait3A_163 = arith.constant 0 : i32
      %dma_wait3A_164 = tpu.memref_slice %arg4[%add3A_149, %dma_wait3A_163] : memref<3328x2048xf32, #tpu.memory_space<hbm>> -> memref<8x2048xf32, #tpu.memory_space<hbm>>
      tpu.wait_dma2 semaphore(%run_scoped3A : memref<!tpu.dma_semaphore, #tpu.memory_space<semaphore_mem>>) src(%arg7 : memref<8x2048xf32, #tpu.memory_space<vmem>>) dst(%dma_wait3A_164 : memref<8x2048xf32, #tpu.memory_space<hbm>>)
      tpu.yield
    }) : () -> ()
    %dma_wait3A_150 = arith.constant 96 : i32
    %dma_wait3A_151 = tpu.memref_slice %arg5[%dma_wait3A_150] : memref<104xi32, #tpu.memory_space<vmem>> -> memref<8xi32, #tpu.memory_space<vmem>>
    %dma_wait3A_152 = arith.constant 0 : i32
    %dma_wait3A_153 = arith.constant 0 : i32
    %dma_wait3A_154 = tpu.memref_slice %arg2[%dma_wait3A_152, %dma_wait3A_153] : memref<24576x2048xf32, #tpu.memory_space<hbm>> -> memref<24576x2048xf32, #tpu.memory_space<hbm>>
    tpu.wait_indirect_dma semaphore(%arg8 : memref<!tpu.dma_semaphore, #tpu.memory_space<semaphore_mem>>) src(%dma_wait3A_154 : memref<24576x2048xf32, #tpu.memory_space<hbm>>) dst(%arg6 : memref<8x2048xf32, #tpu.memory_space<vmem>>)
    %add3A_155 = arith.constant 96 : i32
    %add3A_156 = arith.addi %mul3A_2, %add3A_155 : i32
    "tpu.region"() ({
      %run_scoped3A = tpu.sem_alloc : memref<!tpu.dma_semaphore, #tpu.memory_space<semaphore_mem>>
      %dma_start3A_157 = arith.constant 0 : i32
      %dma_start3A_158 = tpu.memref_slice %arg4[%add3A_156, %dma_start3A_157] : memref<3328x2048xf32, #tpu.memory_space<hbm>> -> memref<8x2048xf32, #tpu.memory_space<hbm>>
      %dma_start3A_159 = arith.constant 0 : i32
      %dma_start3A_160 = tpu.memref_slice %arg4[%add3A_156, %dma_start3A_159] : memref<3328x2048xf32, #tpu.memory_space<hbm>> -> memref<8x2048xf32, #tpu.memory_space<hbm>>
      tpu.enqueue_dma source(%arg6 : memref<8x2048xf32, #tpu.memory_space<vmem>>) target(%dma_start3A_160 : memref<8x2048xf32, #tpu.memory_space<hbm>>) target_semaphore(%run_scoped3A : memref<!tpu.dma_semaphore, #tpu.memory_space<semaphore_mem>>)
      %dma_wait3A_161 = arith.constant 0 : i32
      %dma_wait3A_162 = tpu.memref_slice %arg4[%add3A_156, %dma_wait3A_161] : memref<3328x2048xf32, #tpu.memory_space<hbm>> -> memref<8x2048xf32, #tpu.memory_space<hbm>>
      %dma_wait3A_163 = arith.constant 0 : i32
      %dma_wait3A_164 = tpu.memref_slice %arg4[%add3A_156, %dma_wait3A_163] : memref<3328x2048xf32, #tpu.memory_space<hbm>> -> memref<8x2048xf32, #tpu.memory_space<hbm>>
      tpu.wait_dma2 semaphore(%run_scoped3A : memref<!tpu.dma_semaphore, #tpu.memory_space<semaphore_mem>>) src(%arg6 : memref<8x2048xf32, #tpu.memory_space<vmem>>) dst(%dma_wait3A_164 : memref<8x2048xf32, #tpu.memory_space<hbm>>)
      tpu.yield
    }) : () -> ()
    return
  }
}

module attributes {stable_mosaic.version = 14 : i64} {
  func.func @_sample_body(%arg0: memref<12x2048xf32, #tpu.memory_space<vmem>>, %arg1: memref<12x2048x64xf32, #tpu.memory_space<vmem>>, %arg2: memref<1x2048xf32, #tpu.memory_space<vmem>>, %arg3: memref<256x2048xf32, #tpu.memory_space<vmem>>, %arg4: memref<1x257xi32, #tpu.memory_space<vmem>>, %arg5: memref<1x257xi32, #tpu.memory_space<vmem>>, %arg6: memref<12x257xi32, #tpu.memory_space<vmem>>) attributes {dimension_semantics = [], scalar_prefetch = 0 : i64, scratch_operands = 0 : i64, tpu.core_type = #tpu.core_type<tc>} {
    %get3A = arith.constant 0 : index
    %get3A_0 = arith.constant 0 : index
    %get3A_1 = arith.constant 0 : index
    %get3A_2 = vector.load %arg1[%get3A, %get3A_0, %get3A_1] : memref<12x2048x64xf32, #tpu.memory_space<vmem>>, vector<12x2048x64xf32>
    %mul3A = arith.mulf %get3A_2, %get3A_2 : vector<12x2048x64xf32>
    %reduce_sum3A = arith.constant dense<0.000000e+00> : vector<12x2048xf32>
    %reduce_sum3A_3 = vector.multi_reduction <add>, %mul3A, %reduce_sum3A [2] : vector<12x2048x64xf32> to vector<12x2048xf32>
    %sqrt3A = math.sqrt %reduce_sum3A_3 : vector<12x2048xf32>
    %get3A_4 = arith.constant 0 : index
    %get3A_5 = arith.constant 0 : index
    %get3A_6 = vector.load %arg0[%get3A_4, %get3A_5] : memref<12x2048xf32, #tpu.memory_space<vmem>>, vector<12x2048xf32>
    %mul3A_7 = arith.mulf %get3A_6, %sqrt3A : vector<12x2048xf32>
    %reduce_sum3A_8 = arith.constant dense<0.000000e+00> : vector<2048xf32>
    %reduce_sum3A_9 = vector.multi_reduction <add>, %mul3A_7, %reduce_sum3A_8 [0] : vector<12x2048xf32> to vector<2048xf32>
    %broadcast_in_dim3A = vector.shape_cast %reduce_sum3A_9 : vector<2048xf32> to vector<1x2048xf32>
    %iota3A = tpu.iota {dimensions = array<i32: 1>} : vector<1x2048xi32>
    %ge3A = arith.constant 1 : i32
    %ge3A_10 = vector.broadcast %ge3A : i32 to vector<1x2048xi32>
    %ge3A_11 = arith.cmpi sge, %iota3A, %ge3A_10 : vector<1x2048xi32>
    %convert_element_type3A = arith.extui %ge3A_11 : vector<1x2048xi1> to vector<1x2048xi32>
    %convert_element_type3A_12 = arith.sitofp %convert_element_type3A : vector<1x2048xi32> to vector<1x2048xf32>
    %mul3A_13 = arith.mulf %broadcast_in_dim3A, %convert_element_type3A_12 : vector<1x2048xf32>
    %reduce_sum3A_14 = vector.shape_cast %mul3A_13 : vector<1x2048xf32> to vector<1x1x2048xf32>
    %reduce_sum3A_15 = arith.constant dense<0.000000e+00> : vector<1xf32>
    %reduce_sum3A_16 = vector.multi_reduction <add>, %reduce_sum3A_14, %reduce_sum3A_15 [1, 2] : vector<1x1x2048xf32> to vector<1xf32>
    %reduce_sum3A_17 = vector.shape_cast %reduce_sum3A_16 : vector<1xf32> to vector<1x1x1xf32>
    %reduce_sum3A_18 = vector.extract %reduce_sum3A_17[0, 0, 0] : f32 from vector<1x1x1xf32>
    %add3A = arith.constant 9.99999997E-7 : f32
    %add3A_19 = arith.addf %reduce_sum3A_18, %add3A : f32
    %div3A = vector.broadcast %add3A_19 : f32 to vector<1x2048xf32>
    %div3A_20 = arith.divf %broadcast_in_dim3A, %div3A : vector<1x2048xf32>
    %add3A_21 = arith.constant 9.99999997E-7 : f32
    %add3A_22 = vector.broadcast %add3A_21 : f32 to vector<1x2048xf32>
    %add3A_23 = arith.addf %div3A_20, %add3A_22 : vector<1x2048xf32>
    %log3A = math.log %add3A_23 : vector<1x2048xf32>
    %get3A_24 = arith.constant 0 : index
    %get3A_25 = arith.constant 0 : index
    %get3A_26 = vector.load %arg2[%get3A_24, %get3A_25] : memref<1x2048xf32, #tpu.memory_space<vmem>>, vector<1x2048xf32>
    %gt3A = arith.constant 5.000000e-01 : f32
    %gt3A_27 = vector.broadcast %gt3A : f32 to vector<1x2048xf32>
    %gt3A_28 = arith.cmpf ogt, %get3A_26, %gt3A_27 : vector<1x2048xf32>
    %jit3A = arith.constant -1.70141173E+38 : f32
    %broadcast_in_dim3A_29 = vector.broadcast %jit3A : f32 to vector<1x2048xf32>
    %select_n3A = arith.select %gt3A_28, %log3A, %broadcast_in_dim3A_29 : vector<1x2048xi1>, vector<1x2048xf32>
    %get3A_30 = arith.constant 0 : index
    %get3A_31 = arith.constant 0 : index
    %get3A_32 = vector.load %arg3[%get3A_30, %get3A_31] : memref<256x2048xf32, #tpu.memory_space<vmem>>, vector<256x2048xf32>
    %add3A_33 = vector.broadcast %select_n3A : vector<1x2048xf32> to vector<256x2048xf32>
    %add3A_34 = arith.addf %add3A_33, %get3A_32 : vector<256x2048xf32>
    %reduce_max3A = arith.constant dense<0xFF800000> : vector<256xf32>
    %reduce_max3A_35 = vector.multi_reduction <maximumf>, %add3A_34, %reduce_max3A [1] : vector<256x2048xf32> to vector<256xf32>
    %broadcast_in_dim3A_36 = vector.shape_cast %reduce_max3A_35 : vector<256xf32> to vector<256x1xf32>
    %iota3A_37 = tpu.iota {dimensions = array<i32: 1>} : vector<256x2048xi32>
    %eq3A = vector.broadcast %broadcast_in_dim3A_36 : vector<256x1xf32> to vector<256x2048xf32>
    %eq3A_38 = arith.cmpf oeq, %add3A_34, %eq3A : vector<256x2048xf32>
    %jit3A_39 = arith.constant 4096 : i32
    %broadcast_in_dim3A_40 = vector.broadcast %jit3A_39 : i32 to vector<256x2048xi32>
    %select_n3A_41 = arith.select %eq3A_38, %iota3A_37, %broadcast_in_dim3A_40 : vector<256x2048xi1>, vector<256x2048xi32>
    %reduce_min3A = arith.constant dense<2147483647> : vector<256xi32>
    %reduce_min3A_42 = vector.multi_reduction <minsi>, %select_n3A_41, %reduce_min3A [1] : vector<256x2048xi32> to vector<256xi32>
    %broadcast_in_dim3A_43 = vector.shape_cast %reduce_min3A_42 : vector<256xi32> to vector<256x1xi32>
    %eq3A_44 = vector.broadcast %broadcast_in_dim3A_43 : vector<256x1xi32> to vector<256x2048xi32>
    %eq3A_45 = arith.cmpi eq, %eq3A_44, %iota3A_37 : vector<256x2048xi32>
    %convert_element_type3A_46 = arith.extui %eq3A_45 : vector<256x2048xi1> to vector<256x2048xi32>
    %convert_element_type3A_47 = arith.sitofp %convert_element_type3A_46 : vector<256x2048xi32> to vector<256x2048xf32>
    %reduce_max3A_48 = arith.constant dense<0xFF800000> : vector<2048xf32>
    %reduce_max3A_49 = vector.multi_reduction <maximumf>, %convert_element_type3A_47, %reduce_max3A_48 [0] : vector<256x2048xf32> to vector<2048xf32>
    %broadcast_in_dim3A_50 = vector.shape_cast %reduce_max3A_49 : vector<2048xf32> to vector<1x2048xf32>
    %reduce_sum3A_51 = vector.shape_cast %broadcast_in_dim3A_50 : vector<1x2048xf32> to vector<1x1x2048xf32>
    %reduce_sum3A_52 = arith.constant dense<0.000000e+00> : vector<1xf32>
    %reduce_sum3A_53 = vector.multi_reduction <add>, %reduce_sum3A_51, %reduce_sum3A_52 [1, 2] : vector<1x1x2048xf32> to vector<1xf32>
    %reduce_sum3A_54 = vector.shape_cast %reduce_sum3A_53 : vector<1xf32> to vector<1x1x1xf32>
    %reduce_sum3A_55 = vector.extract %reduce_sum3A_54[0, 0, 0] : f32 from vector<1x1x1xf32>
    %iota3A_56 = tpu.iota {dimensions = array<i32: 0>} : vector<2048x2048xi32>
    %iota3A_57 = tpu.iota {dimensions = array<i32: 1>} : vector<2048x2048xi32>
    %le3A = arith.cmpi sle, %iota3A_57, %iota3A_56 : vector<2048x2048xi32>
    %convert_element_type3A_58 = arith.extui %le3A : vector<2048x2048xi1> to vector<2048x2048xi32>
    %convert_element_type3A_59 = arith.sitofp %convert_element_type3A_58 : vector<2048x2048xi32> to vector<2048x2048xf32>
    %dot_general3A = arith.constant dense<0.000000e+00> : vector<2048x1xf32>
    %dot_general3A_60 = tpu.matmul %convert_element_type3A_59, %broadcast_in_dim3A_50, %dot_general3A {dimension_numbers = #tpu.dot_dimension_numbers<[1], [1], [0], [0], [0, 0, 1, 0], [], []>, transpose_lhs_hint = false} : vector<2048x2048xf32>, vector<1x2048xf32>, vector<2048x1xf32> -> vector<2048x1xf32>
    %broadcast_in_dim3A_61 = arith.constant 0.000000e+00 : f32
    %broadcast_in_dim3A_62 = vector.broadcast %broadcast_in_dim3A_61 : f32 to vector<1x1xf32>
    %slice3A = vector.extract_strided_slice %dot_general3A_60 {offsets = [0, 0], sizes = [2047, 1], strides = [1, 1]} : vector<2048x1xf32> to vector<2047x1xf32>
    %concatenate3A = tpu.concatenate %broadcast_in_dim3A_62, %slice3A in 0 : vector<1x1xf32>, vector<2047x1xf32> -> vector<2048x1xf32>
    %sub3A = arith.subf %dot_general3A_60, %concatenate3A : vector<2048x1xf32>
    %sub3A_63 = arith.constant 2.550000e+02 : f32
    %sub3A_64 = arith.subf %sub3A_63, %reduce_sum3A_55 : f32
    %add3A_65 = vector.broadcast %sub3A_64 : f32 to vector<2048x1xf32>
    %add3A_66 = arith.addf %dot_general3A_60, %add3A_65 : vector<2048x1xf32>
    %iota3A_67 = tpu.iota {dimensions = array<i32: 1>} : vector<2048x256xi32>
    %convert_element_type3A_68 = arith.sitofp %iota3A_67 : vector<2048x256xi32> to vector<2048x256xf32>
    %iota3A_69 = tpu.iota {dimensions = array<i32: 0>} : vector<2048x256xi32>
    %convert_element_type3A_70 = arith.sitofp %iota3A_69 : vector<2048x256xi32> to vector<2048x256xf32>
    %eq3A_71 = vector.broadcast %add3A_66 : vector<2048x1xf32> to vector<2048x256xf32>
    %eq3A_72 = arith.cmpf oeq, %eq3A_71, %convert_element_type3A_68 : vector<2048x256xf32>
    %gt3A_73 = arith.constant 5.000000e-01 : f32
    %gt3A_74 = vector.broadcast %gt3A_73 : f32 to vector<2048x1xf32>
    %gt3A_75 = arith.cmpf ogt, %sub3A, %gt3A_74 : vector<2048x1xf32>
    %and3A = vector.broadcast %gt3A_75 : vector<2048x1xi1> to vector<2048x256xi1>
    %and3A_76 = arith.andi %eq3A_72, %and3A : vector<2048x256xi1>
    %jit3A_77 = arith.constant 0.000000e+00 : f32
    %broadcast_in_dim3A_78 = vector.broadcast %jit3A_77 : f32 to vector<2048x256xf32>
    %select_n3A_79 = arith.select %and3A_76, %convert_element_type3A_70, %broadcast_in_dim3A_78 : vector<2048x256xi1>, vector<2048x256xf32>
    %reduce_sum3A_80 = arith.constant dense<0.000000e+00> : vector<256xf32>
    %reduce_sum3A_81 = vector.multi_reduction <add>, %select_n3A_79, %reduce_sum3A_80 [0] : vector<2048x256xf32> to vector<256xf32>
    %broadcast_in_dim3A_82 = vector.shape_cast %reduce_sum3A_81 : vector<256xf32> to vector<1x256xf32>
    %convert_element_type3A_83 = arith.fptosi %broadcast_in_dim3A_82 : vector<1x256xf32> to vector<1x256xi32>
    %broadcast_in_dim3A_84 = arith.constant 0 : i32
    %broadcast_in_dim3A_85 = vector.broadcast %broadcast_in_dim3A_84 : i32 to vector<1x1xi32>
    %concatenate3A_86 = tpu.concatenate %broadcast_in_dim3A_85, %convert_element_type3A_83 in 1 : vector<1x1xi32>, vector<1x256xi32> -> vector<1x257xi32>
    %broadcast_in_dim3A_87 = arith.constant 1 : i32
    %broadcast_in_dim3A_88 = vector.broadcast %broadcast_in_dim3A_87 : i32 to vector<1x1xi32>
    %ne3A = arith.constant 0 : i32
    %ne3A_89 = vector.broadcast %ne3A : i32 to vector<1x256xi32>
    %ne3A_90 = arith.cmpi ne, %convert_element_type3A_83, %ne3A_89 : vector<1x256xi32>
    %convert_element_type3A_91 = arith.extui %ne3A_90 : vector<1x256xi1> to vector<1x256xi32>
    %concatenate3A_92 = tpu.concatenate %broadcast_in_dim3A_88, %convert_element_type3A_91 in 1 : vector<1x1xi32>, vector<1x256xi32> -> vector<1x257xi32>
    %swap3A = arith.constant 0 : index
    %swap3A_93 = arith.constant 0 : index
    %swap3A_94 = vector.load %arg4[%swap3A, %swap3A_93] : memref<1x257xi32, #tpu.memory_space<vmem>>, vector<1x257xi32>
    tpu.vector_store %arg4[%swap3A, %swap3A_93], %concatenate3A_86 {strides = array<i32>} : memref<1x257xi32, #tpu.memory_space<vmem>>, vector<1x257xi32>,
    %swap3A_95 = arith.constant 0 : index
    %swap3A_96 = arith.constant 0 : index
    %swap3A_97 = vector.load %arg5[%swap3A_95, %swap3A_96] : memref<1x257xi32, #tpu.memory_space<vmem>>, vector<1x257xi32>
    tpu.vector_store %arg5[%swap3A_95, %swap3A_96], %concatenate3A_92 {strides = array<i32>} : memref<1x257xi32, #tpu.memory_space<vmem>>, vector<1x257xi32>,
    %iota3A_98 = tpu.iota {dimensions = array<i32: 0>} : vector<12x257xi32>
    %mul3A_99 = arith.constant 2048 : i32
    %mul3A_100 = vector.broadcast %mul3A_99 : i32 to vector<12x257xi32>
    %mul3A_101 = arith.muli %iota3A_98, %mul3A_100 : vector<12x257xi32>
    %add3A_102 = vector.broadcast %concatenate3A_86 : vector<1x257xi32> to vector<12x257xi32>
    %add3A_103 = arith.addi %mul3A_101, %add3A_102 : vector<12x257xi32>
    %swap3A_104 = arith.constant 0 : index
    %swap3A_105 = arith.constant 0 : index
    %swap3A_106 = vector.load %arg6[%swap3A_104, %swap3A_105] : memref<12x257xi32, #tpu.memory_space<vmem>>, vector<12x257xi32>
    tpu.vector_store %arg6[%swap3A_104, %swap3A_105], %add3A_103 {strides = array<i32>} : memref<12x257xi32, #tpu.memory_space<vmem>>, vector<12x257xi32>,
    return
  }
}

</mosaic_0001>

<sc_bundles>
// kernel: kernel.6.cloned.1.call-start
scs
__scs_entry_jumppad:
0x0: {  	(pc) =	sbr.rel $0x88, $3  }
0x1: {  	(tag) =	ssettag $0x0;
	lr =	simm.s32 $0x1  }
0x2: {  	[smem:$0x3F9E] =	sst lr;
	_ =	strace $0xD0000000  }
0x3: {  	_ = 	snop  }
0x4: {  	_ = 	snop  }
0x5: {  	_ = 	snop  }
0x6: {  	_ = 	snop  }
0x7: {  	_ = 	snop  }
__scs_overlays_trampoline_lowered:
0x8: {  	[smem:$0x3FAD] =	sst s0  }
0x9: {  	[smem:$0x3FAE] =	sst s1  }
0xa: {  	[smem:$0x3FAF] =	sst s2  }
0xb: {  	[smem:$0x3FB0] =	sst s3  }
0xc: {  	[smem:$0x3FB1] =	sst s4  }
0xd: {  	[smem:$0x3FB2] =	sst s5  }
0xe: {  	[smem:$0x3FB3] =	sst s6  }
0xf: {  	[smem:$0x3FB4] =	sst s7  }
0x10: {  	[smem:$0x3FB5] =	sst s8  }
0x11: {  	[smem:$0x3FB6] =	sst s9;
	s0 =	simm.s32 @!p0 $0x0  }
0x12: {  	s1 =	sld [smem:$0x3F9C];
	s0 =	simm.s32 @p0 $0x1  }
0x13: {  	[smem:$0x3FB7] =	sst s0;
	s0 =	simm.s32 @!p1 $0x0  }
0x14: {  	s2 =	sld [smem:$0x3F9B];
	s0 =	simm.s32 @p1 $0x1  }
0x15: {  	[smem:$0x3FB8] =	sst s0;
	s0 =	simm.s32 @!p2 $0x0  }
0x16: {  	s3 =	sld [smem:$0x3FDB];
	s0 =	simm.s32 @p2 $0x1  }
0x17: {  	s4 =	simm.s32 $0x1BF5;
	[smem:$0x3FBA] =	sst s0  }
0x18: {  	s0 =	sld [smem:$0x3F9D];
	_ =	swait.ge [sflag:s4], $0x0  }
0x19: {  	s7 =	sld [smem:$0x3F9E]  }
0x1a: {  	s8 =	sadd.s32 $0xFFFFE003, lr  }
0x1b: {  	s9 =	sadd.s32 $0xFFFFFEF7, lr;
	s5 =	simm.s32 $0xFFFFFFFF;
	p2 =	slt.u32 s8, $0xFFFFF086  }
0x1c: {  	p1 =	slt.u32 s9, $0xF7A;
	s5 =	simm.s32 @!p2 $0x0  }
0x1d: {  	s5 =	simm.s32 @p1 $0x1;
	p0 =	seq.s32 s7, s2  }
0x1e: {  	s7 =	smul.u32 @!p0 $0xF7A, s2;
	p2 =	seq.s32 @!p0 s5, $0x0  }
0x1f: {  	s9 =	smul.u32 $0xF7A, s1;
	s8 =	simm.s32 @!p0 $0x1BF5;
	p2 =	por !p2, p0  }
0x20: {  	[sflag:s8] =	ssyncset.s32 @!p0 $0xFFFFF086;
	s6 =	sadd.s32 @!p0 s3, s7;
	s7 =	simm.s32 @!p0 $0x108  }
0x21: {  	s3 =	sadd.s32 s3, s9;
	s6 =	sadd.s32 @!p0 $0x88, s6;
	s7 =	simm.s32 @p2 $0x1082  }
0x22: {  	[simem:s7], [sflag:s8] =	dma.local @!p0 [hbm:s6], $0xF7A  }
0x23: {  	s9 =	sor.u32 $0xD0000000, s2;
	s6 =	simm.s32 $0x108;
	_ =	swait.ge @!p0 [sflag:s8], $0x0  }
0x24: {  	s3 =	sadd.s32 $0x88, s3;
	s6 =	simm.s32 @!p1 $0x1082;
	[sflag:s4] =	ssyncset.s32 $0xFFFFF086  }
0x25: {  	[simem:s6], [sflag:s4] =	dma.local [hbm:s3], $0xF7A  }
0x26: {  	[smem:$0x3F9E] =	sst s1;
	(tag) =	ssettag s2;
	_ =	strace s9  }
0x27: {  	s1 =	sld [smem:$0x3FAE]  }
0x28: {  	s2 =	sld [smem:$0x3FAF]  }
0x29: {  	s4 =	sld [smem:$0x3FB1]  }
0x2a: {  	p0 =	seq.s32 s5, $0x0;
	s5 =	sld [smem:$0x3FB2]  }
0x2b: {  	s6 =	sld [smem:$0x3FB3]  }
0x2c: {  	s7 =	sld [smem:$0x3FB4]  }
0x2d: {  	s3 =	simm.s32 $0x108;
	s8 =	sld [smem:$0x3FB5]  }
0x2e: {  	s3 =	simm.s32 @!p0 $0x1082;
	s9 =	sld [smem:$0x3FB6]  }
0x2f: {  	lr =	sadd.s32 s0, s3;
	s0 =	sld [smem:$0x3FAD]  }
0x30: {  	s3 =	sld [smem:$0x3FB0]  }
0x31: {  	[smem:$0x3FB9] =	sst s10  }
0x32: {  	s10 =	sld [smem:$0x3FB7];
	_ =	sdelay $0x3  }
0x33: {  	p0 =	seq.s32 s10, $0x1;
	s10 =	sld [smem:$0x3FB9];
	_ =	sdelay $0x3  }
0x34: {  	[smem:$0x3FB9] =	sst s10  }
0x35: {  	s10 =	sld [smem:$0x3FB8];
	_ =	sdelay $0x3  }
0x36: {  	p1 =	seq.s32 s10, $0x1;
	s10 =	sld [smem:$0x3FB9];
	_ =	sdelay $0x3  }
0x37: {  	[smem:$0x3FB9] =	sst s10  }
0x38: {  	s10 =	sld [smem:$0x3FBA]  }
0x39: {  	_ = 	snop;
	(pc) =	sbr.ind lr, $3  }
0x3a: {  	_ = 	snop  }
0x3b: {  	_ = 	snop  }
0x3c: {  	p2 =	seq.s32 s10, $0x1;
	s10 =	sld [smem:$0x3FB9]  }
0x3d: {  	_ =	shalt  }
0x3e: {  	_ =	shalt  }
0x3f: {  	_ =	shalt  }
0x40: {  	_ =	shalt  }
0x41: {  	_ =	shalt  }
0x42: {  	_ =	shalt  }
0x43: {  	_ =	shalt  }
0x44: {  	_ =	shalt  }
0x45: {  	_ =	shalt  }
0x46: {  	_ =	shalt  }
0x47: {  	_ =	shalt  }
0x48: {  	_ =	shalt  }
0x49: {  	_ =	shalt  }
0x4a: {  	_ =	shalt  }
0x4b: {  	_ =	shalt  }
0x4c: {  	_ =	shalt  }
0x4d: {  	_ =	shalt  }
0x4e: {  	_ =	shalt  }
0x4f: {  	_ =	shalt  }
0x50: {  	_ =	shalt  }
0x51: {  	_ =	shalt  }
0x52: {  	_ =	shalt  }
0x53: {  	_ =	shalt  }
0x54: {  	_ =	shalt  }
0x55: {  	_ =	shalt  }
0x56: {  	_ =	shalt  }
0x57: {  	_ =	shalt  }
0x58: {  	_ =	shalt  }
0x59: {  	_ =	shalt  }
0x5a: {  	_ =	shalt  }
0x5b: {  	_ =	shalt  }
0x5c: {  	_ =	shalt  }
0x5d: {  	_ =	shalt  }
0x5e: {  	_ =	shalt  }
0x5f: {  	_ =	shalt  }
0x60: {  	_ =	shalt  }
0x61: {  	_ =	shalt  }
0x62: {  	_ =	shalt  }
0x63: {  	_ =	shalt  }
0x64: {  	_ =	shalt  }
0x65: {  	_ =	shalt  }
0x66: {  	_ =	shalt  }
0x67: {  	_ =	shalt  }
0x68: {  	_ =	shalt  }
0x69: {  	_ =	shalt  }
0x6a: {  	_ =	shalt  }
0x6b: {  	_ =	shalt  }
0x6c: {  	_ =	shalt  }
0x6d: {  	_ =	shalt  }
0x6e: {  	_ =	shalt  }
0x6f: {  	_ =	shalt  }
0x70: {  	_ =	shalt  }
0x71: {  	_ =	shalt  }
0x72: {  	_ =	shalt  }
0x73: {  	_ =	shalt  }
0x74: {  	_ =	shalt  }
0x75: {  	_ =	shalt  }
0x76: {  	_ =	shalt  }
0x77: {  	_ =	shalt  }
0x78: {  	_ =	shalt  }
0x79: {  	_ =	shalt  }
0x7a: {  	_ =	shalt  }
0x7b: {  	_ =	shalt  }
0x7c: {  	_ =	shalt  }
0x7d: {  	_ =	shalt  }
0x7e: {  	_ =	shalt  }
0x7f: {  	_ =	shalt  }
0x80: {  	_ =	shalt  }
0x81: {  	_ =	shalt  }
0x82: {  	_ =	shalt  }
0x83: {  	_ =	shalt  }
0x84: {  	_ =	shalt  }
0x85: {  	_ =	shalt  }
0x86: {  	_ =	shalt  }
0x87: {  	_ =	shalt  }
.Lfunc_end0:
.L_simem_size_0:
called_computation_lowered:
.L_overlay_start_0:
0x88: {  	s2 =	sld [smem:$0x3FD9]  }
0x89: {  	s3 =	sld [smem:$0x3FFE];
	_ =	sdelay $0x1  }
0x8a: {  	s1 =	srdreg.scid  }
0x8b: {  	s0 =	sand.u32 $0x1, s1  }
0x8c: {  	s14 =	sshll.u32 s0, $0xA;
	s2 =	sadd.s32 s3, s2  }
0x8d: {  	s2 =	sadd.s32 s2, s14  }
0x8e: {  	[smem:$0x3FC5] =	sst s2  }
0x8f: {  	_ = 	snop  }
0x90: {  	s2 =	sld [smem:$0x3FD0];
	_ =	sdelay $0x2  }
0x91: {  	s4 =	simm.s32 $0xA;
	s5 =	simm.s32 $0x10;
	s15 =	sld [smem:$0x3FC9]  }
0x92: {  	[smem:s5], [sflag:s4] =	dma.local [hbm:s2], $0x1  }
0x93: {  	_ =	swait.eq [sflag:s4], $0x1  }
0x94: {  	[sflag:s4] =	ssyncset.done $0x0  }
0x95: {  	[sflag:s4] =	ssyncadd.s32 $0xFFFFFFFF  }
0x96: {  	s16 =	sld [smem:$0x10];
	(tm) =	ssettm $0x1  }
0x97: {  	s17 =	sld [smem:$0x3FFB];
	_ =	sdelay $0x3  }
0x98: {  	_ =	strace s17  }
0x99: {  	s4 =	sld [smem:$0x3FFC];
	_ =	sdelay $0x3  }
0x9a: {  	_ =	strace s4  }
0x9b: {  	s4 =	sld [smem:$0x3FFD];
	_ =	sdelay $0x3  }
0x9c: {  	_ =	strace s4  }
0x9d: {  	_ =	strace $0x8FFFFFFF  }
0x9e: {  	s18 =	sld [smem:$0x3FDB];
	_ =	sdelay $0x1  }
0x9f: {  	s19 =	simm.s32 $_scs_section_size  }
0xa0: {  	s6 =	simm.s32 $_size__tile_overlayer_lowered;
	s7 =	simm.s32 $_tile_overlayer_lowered  }
0xa1: {  	s22 =	simm.s32 $0x1BFF;
	s21 =	sshll.u32 s7, $0x1;
	s4 =	sadd.s32 s19, s18  }
0xa2: {  	s8 =	simm.s32 $0x0;
	s20 =	sshll.u32 s6, $0x1;
	s6 =	sadd.s32 s21, s4  }
0xa3: {  	[timem:s8], [sflag:s22] =	dma.local [hbm:s6], s20  }
0xa4: {  	_ =	swait.ge [sflag:s22], s20  }
0xa5: {  	s5 =	ssub.s32 $0x0, s20;
	[sflag:s22] =	ssyncset.done $0x0  }
0xa6: {  	[sflag:s22] =	ssyncadd.s32 s5;
	_ =	sdelay $0x1  }
0xa7: {  	s23 =	simm.s32 $0x1B8B  }
0xa8: {  	_ =	swait.ge [sflag:s23], $0x1  }
0xa9: {  	[sflag:s23] =	ssyncset.done $0x0  }
0xaa: {  	s25 =	simm.s32 $0x1B8E;
	s24 =	sld [smem:$0x3FFE];
	[sflag:s23] =	ssyncadd.s32 $0xFFFFFFFF  }
0xab: {  	s26 =	simm.s32 $execute0_lowered;
	[smem:$0x3FD2] =	sst s25  }
0xac: {  	s6 =	sshll.u32 s26, $0x1;
	_ =	strace $0x80000046;
	[dreg:$0x1] =	wrdreg $0xFFFFFFFF  }
0xad: {  	s28 =	simm.s32 $_size_execute0_lowered;
	s4 =	sadd.s32 s4, s6;
	[dreg:$0x0] =	wrdreg $0x0  }
0xae: {  	s6 =	sshll.u32 s28, $0x1;
	[dreg:$0x2] =	wrdreg s4  }
0xaf: {  	[dreg:$0x3] =	wrdreg s6  }
0xb0: {  	[dreg:$0x4] =	wrdreg $0xC0  }
0xb1: {  	_ =	task [dreg:s8], $0x5FFFF  }
0xb2: {  	[dreg:$0x1] =	wrdreg $0xFFFFFFFF  }
0xb3: {  	[dreg:$0x0] =	wrdreg $0x60  }
0xb4: {  	[dreg:$0x2] =	wrdreg s15  }
0xb5: {  	[dreg:$0x3] =	wrdreg s16  }
0xb6: {  	[dreg:$0x4] =	wrdreg s24  }
0xb7: {  	[dreg:$0x5] =	wrdreg $0x9  }
0xb8: {  	_ =	task.clear_ibuf [dreg:s8], $0x6FFFF;
	_ =	strace $0x90000046  }
0xb9: {  	s29 =	simm.s32 $0x9;
	_ =	strace $0x80000048  }
0xba: {  	_ =	swait.ge [sflag:s29], $0x1  }
0xbb: {  	[sflag:s29] =	ssyncadd.s32 $0xFFFFFFFF  }
0xbc: {  	_ =	strace $0x90000048  }
0xbd: {  	_ =	sfence  }
0xbe: {  	s30 =	sld [smem:$0x0];
	_ =	sdelay $0x2  }
0xbf: {  	s31 =	sshll.u32 s1, $0xD;
	s1 =	sshrl.u32 s1, $0x2  }
0xc0: {  	s3 =	sand.u32 $0x4000, s31;
	s1 =	sadd.s32 s1, s30  }
0xc1: {  	s0 =	sor.u32 s3, s0;
	s1 =	sshll.u32 s1, $0x11  }
0xc2: {  	s0 =	sor.u32 s1, s0  }
0xc3: {  	s0 =	sadd.s32 $0x8F2B, s0  }
0xc4: {  	[sflag:s0] =	ssyncadd.remote.s32 $0x1  }
0xc5: {  	_ =	sfence.sel $0xFFFF  }
0xc6: {  	[dreg:$0x0] =	wrdreg $0xFFFFFFFF;
	(pc) =	sbr.abs _section_cstart, $3  }
0xc7: {  	[dreg:$0x1] =	wrdreg $0xFFFFFFFF  }
0xc8: {  	_ =	task.clear_ibuf [dreg:s8], $0x2FFFF;
	_ =	strace $0x9FFFFFFF  }
0xc9: {  	(tm) =	ssettm $0x7FFFFFFF  }
tec
execute0_lowered:
.L_overlay_start_1:
0x0: {  	(tag) =	ssettag $0x1  }
0x1: {  	s1 =	rddreg [dreg:$0x0]  }
0x2: {  	s2 =	srdreg.scid;
	s4 =	rddreg [dreg:$0x1]  }
0x3: {  	s0 =	stileid.u32;
	s5 =	rddreg [dreg:$0x2]  }
0x4: {  	s13 =	simm.s32 $0x3;
	s14 =	simm.s32 $0x80;
	s15 =	simm.s32 $0x880  }
0x5: {  	s28 =	simm.s32 $0x6880;
	s2 =	sand.u32 $0x1, s2;
	s3 =	sshll.u32 s0, $0x1  }
0x6: {  	s29 =	simm.s32 $0x7080;
	s30 =	simm.s32 $0x7880;
	s6 =	sor.u32 s2, s3  }
0x7: {  	s31 =	simm.s32 $0x1;
	s5 =	sadd.s32 $0x1000, s5;
	s7 =	smul.u32 $0xD, s6  }
0x8: {  	s10 =	sadd.s32 $0x700, s1;
	s3 =	simm.s32 $0x0;
	s8 =	smul.u32 $0x34000, s6  }
0x9: {  	s2 =	ssub.s32 $0x2, s2;
	[smem:$0x7FF] =	sst s3;
	s6 =	smul.u32 $0x6800, s6  }
0xa: {  	_ =	strace $0x80000047;
	s4 =	sadd.s32 s4, s7;
	s16 =	sshrl.u32 s8, $0x3  }
0xb: {  	s17 =	sadd.s32 s5, s6;
	[dreg:$0x4] =	wrdreg s4;
	s11 =	sadd.s32 s5, s16  }
0xc: {  	s22 =	sshrl.u32 s2, $0x1;
	[dreg:$0x5] =	wrdreg s17;
	s18 =	sadd.s32 $0x800, s11  }
0xd: {  	s2 =	ssub.s32 s2, s22;
	s19 =	sadd.s32 $0x1000, s11;
	[dreg:$0x6] =	wrdreg s18  }
0xe: {  	s22 =	simm.s32 $0x4080;
	s20 =	sadd.s32 $0x1800, s11;
	[dreg:$0x7] =	wrdreg s19  }
0xf: {  	s6 =	sadd.s32 $0x300, s1;
	s21 =	sadd.s32 $0x2000, s11;
	[dreg:$0x8] =	wrdreg s20  }
0x10: {  	s8 =	sadd.s32 $0x500, s1;
	s23 =	sadd.s32 $0x2800, s11;
	[dreg:$0x9] =	wrdreg s21  }
0x11: {  	s4 =	sadd.s32 $0x100, s1;
	s24 =	sadd.s32 $0x3000, s11;
	[dreg:$0xa] =	wrdreg s23  }
0x12: {  	s5 =	sadd.s32 $0x200, s1;
	s25 =	sadd.s32 $0x3800, s11;
	[dreg:$0xb] =	wrdreg s24  }
0x13: {  	s16 =	simm.s32 $0x1080;
	s7 =	sadd.s32 $0x4000, s11;
	[dreg:$0xc] =	wrdreg s25  }
0x14: {  	s17 =	simm.s32 $0x1880;
	s26 =	sadd.s32 $0x4800, s11;
	[dreg:$0xd] =	wrdreg s7  }
0x15: {  	s9 =	sadd.s32 $0x5000, s11;
	s12 =	sadd.s32 $0x5800, s11;
	[dreg:$0xe] =	wrdreg s26  }
0x16: {  	s11 =	sadd.s32 $0x6000, s11;
	s7 =	sadd.s32 $0x400, s1;
	[dreg:$0xf] =	wrdreg s9  }
0x17: {  	s9 =	sadd.s32 $0x600, s1;
	[dreg:$0x10] =	wrdreg s12;
	s12 =	smax.u32 s2, $0x1  }
0x18: {  	v0 =	vlaneseq.u32;
	s18 =	simm.s32 $0x2080;
	s19 =	simm.s32 $0x2880;
	s20 =	simm.s32 $0x3080  }
0x19: {  	v1 =	vshrl.u32 v0, $0x3;
	s21 =	simm.s32 $0x3880;
	s23 =	simm.s32 $0x4880;
	s24 =	simm.s32 $0x5080  }
0x1a: {  	vm0 =	vmmov $0xffff;
	v0 =	vand.u32 $0x7, v0;
	v1 =	vmul.u32 $0x8, v1;
	s25 =	simm.s32 $0x5880;
	s26 =	simm.s32 $0x6080;
	s2 =	simm.s32 $0x2  }
.LBB2_1:
0x1b: {  	s0 =	rddreg [dreg:$0x4]  }
0x1c: {  	[tilespmem:s3], [sflag:$0x3] =	stream.linear.gather [hbm4b:s0+s3], $0x68, $0x38;
	[tilespmem:$0x8080] =	vst v63  }
0x1d: {  	_ =	swait.ge [sflag:s13], $0x68  }
0x1e: {  	[sflag:s13] =	ssyncset.done $0x0  }
0x1f: {  	[sflag:s13] =	ssyncadd.s32 $0xFFFFFF98  }
0x20: {  	v2 =	vld.msk [tilespmem:$0x0], $0xff;
	_ =	sdelay $0x4  }
0x21: {  	v3 =	vshll.u32 v2, $0x4  }
0x22: {  	v2 =	vand.u32 $0x7, v2;
	v3 =	vand.u32 $0xFFFFFF80, v3  }
0x23: {  	v2 =	vor.u32 v2, v3  }
0x24: {  	v2 =	vperm.xlane v2, v0;
	_ =	sdelay $0x1  }
0x25: {  	v2 =	vadd.s32 v1, v2;
	_ =	sdelay $0x4  }
0x26: {  	[tilespmem:s14], [sflag:$0x1] =	stream.indirect_vreg.gather [hbm4b:s1+s3], $0x80, v2, vm0, $0xb8;
	[tilespmem:$0x8080] =	vst v63  }
0x27: {  	_ = 	snop  }
0x28: {  	[tilespmem:s15], [sflag:$0x1] =	stream.indirect_vreg.gather [hbm4b:s4+s3], $0x80, v2, vm0, $0xb8;
	[tilespmem:$0x8080] =	vst v63  }
0x29: {  	_ = 	snop  }
0x2a: {  	[tilespmem:s16], [sflag:$0x1] =	stream.indirect_vreg.gather [hbm4b:s5+s3], $0x80, v2, vm0, $0xb8;
	[tilespmem:$0x8080] =	vst v63  }
0x2b: {  	_ = 	snop  }
0x2c: {  	[tilespmem:s17], [sflag:$0x1] =	stream.indirect_vreg.gather [hbm4b:s6+s3], $0x80, v2, vm0, $0xb8;
	[tilespmem:$0x8080] =	vst v63  }
0x2d: {  	_ = 	snop  }
0x2e: {  	[tilespmem:s18], [sflag:$0x1] =	stream.indirect_vreg.gather [hbm4b:s7+s3], $0x80, v2, vm0, $0xb8;
	[tilespmem:$0x8080] =	vst v63  }
0x2f: {  	_ = 	snop  }
0x30: {  	[tilespmem:s19], [sflag:$0x1] =	stream.indirect_vreg.gather [hbm4b:s8+s3], $0x80, v2, vm0, $0xb8;
	[tilespmem:$0x8080] =	vst v63  }
0x31: {  	_ = 	snop  }
0x32: {  	[tilespmem:s20], [sflag:$0x1] =	stream.indirect_vreg.gather [hbm4b:s9+s3], $0x80, v2, vm0, $0xb8;
	[tilespmem:$0x8080] =	vst v63  }
0x33: {  	_ = 	snop  }
0x34: {  	[tilespmem:s21], [sflag:$0x1] =	stream.indirect_vreg.gather [hbm4b:s10+s3], $0x80, v2, vm0, $0xb8;
	[tilespmem:$0x8080] =	vst v63  }
0x35: {  	v2 =	vld.msk [tilespmem:$0x8], $0xff;
	_ =	sdelay $0x4  }
0x36: {  	v3 =	vshll.u32 v2, $0x4  }
0x37: {  	v2 =	vand.u32 $0x7, v2;
	v3 =	vand.u32 $0xFFFFFF80, v3  }
0x38: {  	v2 =	vor.u32 v2, v3  }
0x39: {  	v2 =	vperm.xlane v2, v0;
	_ =	sdelay $0x1  }
0x3a: {  	v2 =	vadd.s32 v1, v2;
	_ =	sdelay $0x4  }
0x3b: {  	[tilespmem:s22], [sflag:$0x2] =	stream.indirect_vreg.gather [hbm4b:s1+s3], $0x80, v2, vm0, $0xb8;
	[tilespmem:$0x8080] =	vst v63  }
0x3c: {  	_ = 	snop  }
0x3d: {  	[tilespmem:s23], [sflag:$0x2] =	stream.indirect_vreg.gather [hbm4b:s4+s3], $0x80, v2, vm0, $0xb8;
	[tilespmem:$0x8080] =	vst v63  }
0x3e: {  	_ = 	snop  }
0x3f: {  	[tilespmem:s24], [sflag:$0x2] =	stream.indirect_vreg.gather [hbm4b:s5+s3], $0x80, v2, vm0, $0xb8;
	[tilespmem:$0x8080] =	vst v63  }
0x40: {  	_ = 	snop  }
0x41: {  	[tilespmem:s25], [sflag:$0x2] =	stream.indirect_vreg.gather [hbm4b:s6+s3], $0x80, v2, vm0, $0xb8;
	[tilespmem:$0x8080] =	vst v63  }
0x42: {  	_ = 	snop  }
0x43: {  	[tilespmem:s26], [sflag:$0x2] =	stream.indirect_vreg.gather [hbm4b:s7+s3], $0x80, v2, vm0, $0xb8;
	[tilespmem:$0x8080] =	vst v63  }
0x44: {  	_ = 	snop  }
0x45: {  	[tilespmem:s28], [sflag:$0x2] =	stream.indirect_vreg.gather [hbm4b:s8+s3], $0x80, v2, vm0, $0xb8;
	[tilespmem:$0x8080] =	vst v63  }
0x46: {  	_ = 	snop  }
0x47: {  	[tilespmem:s29], [sflag:$0x2] =	stream.indirect_vreg.gather [hbm4b:s9+s3], $0x80, v2, vm0, $0xb8;
	[tilespmem:$0x8080] =	vst v63  }
0x48: {  	_ = 	snop  }
0x49: {  	[tilespmem:s30], [sflag:$0x2] =	stream.indirect_vreg.gather [hbm4b:s10+s3], $0x80, v2, vm0, $0xb8;
	[tilespmem:$0x8080] =	vst v63  }
0x4a: {  	_ =	swait.ge [sflag:s31], $0x4000  }
0x4b: {  	[sflag:s31] =	ssyncset.done $0x0  }
0x4c: {  	s0 =	rddreg [dreg:$0x5];
	[sflag:s31] =	ssyncadd.s32 $0xFFFFC000  }
0x4d: {  	[hbm4b:s0+s3] =	stream.linear.scatter [tilespmem:s14], [sflag:$0x3], $0x4000, $0x38;
	[tilespmem:$0x8080] =	vst v63  }
0x4e: {  	_ =	swait.ge [sflag:s13], $0x4000  }
0x4f: {  	[sflag:s13] =	ssyncset.done $0x0  }
0x50: {  	[sflag:s13] =	ssyncadd.s32 $0xFFFFC000  }
0x51: {  	v2 =	vld.msk [tilespmem:$0x10], $0xff;
	_ =	sdelay $0x4  }
0x52: {  	v3 =	vshll.u32 v2, $0x4  }
0x53: {  	v2 =	vand.u32 $0x7, v2;
	v3 =	vand.u32 $0xFFFFFF80, v3  }
0x54: {  	v2 =	vor.u32 v2, v3  }
0x55: {  	v2 =	vperm.xlane v2, v0;
	_ =	sdelay $0x1  }
0x56: {  	v2 =	vadd.s32 v1, v2;
	_ =	sdelay $0x4  }
0x57: {  	[tilespmem:s14], [sflag:$0x1] =	stream.indirect_vreg.gather [hbm4b:s1+s3], $0x80, v2, vm0, $0xb8;
	[tilespmem:$0x8080] =	vst v63  }
0x58: {  	_ = 	snop  }
0x59: {  	[tilespmem:s15], [sflag:$0x1] =	stream.indirect_vreg.gather [hbm4b:s4+s3], $0x80, v2, vm0, $0xb8;
	[tilespmem:$0x8080] =	vst v63  }
0x5a: {  	_ = 	snop  }
0x5b: {  	[tilespmem:s16], [sflag:$0x1] =	stream.indirect_vreg.gather [hbm4b:s5+s3], $0x80, v2, vm0, $0xb8;
	[tilespmem:$0x8080] =	vst v63  }
0x5c: {  	_ = 	snop  }
0x5d: {  	[tilespmem:s17], [sflag:$0x1] =	stream.indirect_vreg.gather [hbm4b:s6+s3], $0x80, v2, vm0, $0xb8;
	[tilespmem:$0x8080] =	vst v63  }
0x5e: {  	_ = 	snop  }
0x5f: {  	[tilespmem:s18], [sflag:$0x1] =	stream.indirect_vreg.gather [hbm4b:s7+s3], $0x80, v2, vm0, $0xb8;
	[tilespmem:$0x8080] =	vst v63  }
0x60: {  	_ = 	snop  }
0x61: {  	[tilespmem:s19], [sflag:$0x1] =	stream.indirect_vreg.gather [hbm4b:s8+s3], $0x80, v2, vm0, $0xb8;
	[tilespmem:$0x8080] =	vst v63  }
0x62: {  	_ = 	snop  }
0x63: {  	[tilespmem:s20], [sflag:$0x1] =	stream.indirect_vreg.gather [hbm4b:s9+s3], $0x80, v2, vm0, $0xb8;
	[tilespmem:$0x8080] =	vst v63  }
0x64: {  	_ = 	snop  }
0x65: {  	[tilespmem:s21], [sflag:$0x1] =	stream.indirect_vreg.gather [hbm4b:s10+s3], $0x80, v2, vm0, $0xb8;
	[tilespmem:$0x8080] =	vst v63  }
0x66: {  	_ =	swait.ge [sflag:s2], $0x4000  }
0x67: {  	[sflag:s2] =	ssyncset.done $0x0  }
0x68: {  	s0 =	rddreg [dreg:$0x6];
	[sflag:s2] =	ssyncadd.s32 $0xFFFFC000  }
0x69: {  	[hbm4b:s0+s3] =	stream.linear.scatter [tilespmem:s22], [sflag:$0x3], $0x4000, $0x38;
	[tilespmem:$0x8080] =	vst v63  }
0x6a: {  	_ =	swait.ge [sflag:s13], $0x4000  }
0x6b: {  	[sflag:s13] =	ssyncset.done $0x0  }
0x6c: {  	[sflag:s13] =	ssyncadd.s32 $0xFFFFC000  }
0x6d: {  	v2 =	vld.msk [tilespmem:$0x18], $0xff;
	_ =	sdelay $0x4  }
0x6e: {  	v3 =	vshll.u32 v2, $0x4  }
0x6f: {  	v2 =	vand.u32 $0x7, v2;
	v3 =	vand.u32 $0xFFFFFF80, v3  }
0x70: {  	v2 =	vor.u32 v2, v3  }
0x71: {  	v2 =	vperm.xlane v2, v0;
	_ =	sdelay $0x1  }
0x72: {  	v2 =	vadd.s32 v1, v2;
	_ =	sdelay $0x4  }
0x73: {  	[tilespmem:s22], [sflag:$0x2] =	stream.indirect_vreg.gather [hbm4b:s1+s3], $0x80, v2, vm0, $0xb8;
	[tilespmem:$0x8080] =	vst v63  }
0x74: {  	_ = 	snop  }
0x75: {  	[tilespmem:s23], [sflag:$0x2] =	stream.indirect_vreg.gather [hbm4b:s4+s3], $0x80, v2, vm0, $0xb8;
	[tilespmem:$0x8080] =	vst v63  }
0x76: {  	_ = 	snop  }
0x77: {  	[tilespmem:s24], [sflag:$0x2] =	stream.indirect_vreg.gather [hbm4b:s5+s3], $0x80, v2, vm0, $0xb8;
	[tilespmem:$0x8080] =	vst v63  }
0x78: {  	_ = 	snop  }
0x79: {  	[tilespmem:s25], [sflag:$0x2] =	stream.indirect_vreg.gather [hbm4b:s6+s3], $0x80, v2, vm0, $0xb8;
	[tilespmem:$0x8080] =	vst v63  }
0x7a: {  	_ = 	snop  }
0x7b: {  	[tilespmem:s26], [sflag:$0x2] =	stream.indirect_vreg.gather [hbm4b:s7+s3], $0x80, v2, vm0, $0xb8;
	[tilespmem:$0x8080] =	vst v63  }
0x7c: {  	_ = 	snop  }
0x7d: {  	[tilespmem:s28], [sflag:$0x2] =	stream.indirect_vreg.gather [hbm4b:s8+s3], $0x80, v2, vm0, $0xb8;
	[tilespmem:$0x8080] =	vst v63  }
0x7e: {  	_ = 	snop  }
0x7f: {  	[tilespmem:s29], [sflag:$0x2] =	stream.indirect_vreg.gather [hbm4b:s9+s3], $0x80, v2, vm0, $0xb8;
	[tilespmem:$0x8080] =	vst v63  }
0x80: {  	_ = 	snop  }
0x81: {  	[tilespmem:s30], [sflag:$0x2] =	stream.indirect_vreg.gather [hbm4b:s10+s3], $0x80, v2, vm0, $0xb8;
	[tilespmem:$0x8080] =	vst v63  }
0x82: {  	_ =	swait.ge [sflag:s31], $0x4000  }
0x83: {  	[sflag:s31] =	ssyncset.done $0x0  }
0x84: {  	s0 =	rddreg [dreg:$0x7];
	[sflag:s31] =	ssyncadd.s32 $0xFFFFC000  }
0x85: {  	[hbm4b:s0+s3] =	stream.linear.scatter [tilespmem:s14], [sflag:$0x3], $0x4000, $0x38;
	[tilespmem:$0x8080] =	vst v63  }
0x86: {  	_ =	swait.ge [sflag:s13], $0x4000  }
0x87: {  	[sflag:s13] =	ssyncset.done $0x0  }
0x88: {  	[sflag:s13] =	ssyncadd.s32 $0xFFFFC000  }
0x89: {  	v2 =	vld.msk [tilespmem:$0x20], $0xff;
	_ =	sdelay $0x4  }
0x8a: {  	v3 =	vshll.u32 v2, $0x4  }
0x8b: {  	v2 =	vand.u32 $0x7, v2;
	v3 =	vand.u32 $0xFFFFFF80, v3  }
0x8c: {  	v2 =	vor.u32 v2, v3  }
0x8d: {  	v2 =	vperm.xlane v2, v0;
	_ =	sdelay $0x1  }
0x8e: {  	v2 =	vadd.s32 v1, v2;
	_ =	sdelay $0x4  }
0x8f: {  	[tilespmem:s14], [sflag:$0x1] =	stream.indirect_vreg.gather [hbm4b:s1+s3], $0x80, v2, vm0, $0xb8;
	[tilespmem:$0x8080] =	vst v63  }
0x90: {  	_ = 	snop  }
0x91: {  	[tilespmem:s15], [sflag:$0x1] =	stream.indirect_vreg.gather [hbm4b:s4+s3], $0x80, v2, vm0, $0xb8;
	[tilespmem:$0x8080] =	vst v63  }
0x92: {  	_ = 	snop  }
0x93: {  	[tilespmem:s16], [sflag:$0x1] =	stream.indirect_vreg.gather [hbm4b:s5+s3], $0x80, v2, vm0, $0xb8;
	[tilespmem:$0x8080] =	vst v63  }
0x94: {  	_ = 	snop  }
0x95: {  	[tilespmem:s17], [sflag:$0x1] =	stream.indirect_vreg.gather [hbm4b:s6+s3], $0x80, v2, vm0, $0xb8;
	[tilespmem:$0x8080] =	vst v63  }
0x96: {  	_ = 	snop  }
0x97: {  	[tilespmem:s18], [sflag:$0x1] =	stream.indirect_vreg.gather [hbm4b:s7+s3], $0x80, v2, vm0, $0xb8;
	[tilespmem:$0x8080] =	vst v63  }
0x98: {  	_ = 	snop  }
0x99: {  	[tilespmem:s19], [sflag:$0x1] =	stream.indirect_vreg.gather [hbm4b:s8+s3], $0x80, v2, vm0, $0xb8;
	[tilespmem:$0x8080] =	vst v63  }
0x9a: {  	_ = 	snop  }
0x9b: {  	[tilespmem:s20], [sflag:$0x1] =	stream.indirect_vreg.gather [hbm4b:s9+s3], $0x80, v2, vm0, $0xb8;
	[tilespmem:$0x8080] =	vst v63  }
0x9c: {  	_ = 	snop  }
0x9d: {  	[tilespmem:s21], [sflag:$0x1] =	stream.indirect_vreg.gather [hbm4b:s10+s3], $0x80, v2, vm0, $0xb8;
	[tilespmem:$0x8080] =	vst v63  }
0x9e: {  	_ =	swait.ge [sflag:s2], $0x4000  }
0x9f: {  	[sflag:s2] =	ssyncset.done $0x0  }
0xa0: {  	s0 =	rddreg [dreg:$0x8];
	[sflag:s2] =	ssyncadd.s32 $0xFFFFC000  }
0xa1: {  	[hbm4b:s0+s3] =	stream.linear.scatter [tilespmem:s22], [sflag:$0x3], $0x4000, $0x38;
	[tilespmem:$0x8080] =	vst v63  }
0xa2: {  	_ =	swait.ge [sflag:s13], $0x4000  }
0xa3: {  	[sflag:s13] =	ssyncset.done $0x0  }
0xa4: {  	[sflag:s13] =	ssyncadd.s32 $0xFFFFC000  }
0xa5: {  	v2 =	vld.msk [tilespmem:$0x28], $0xff;
	_ =	sdelay $0x4  }
0xa6: {  	v3 =	vshll.u32 v2, $0x4  }
0xa7: {  	v2 =	vand.u32 $0x7, v2;
	v3 =	vand.u32 $0xFFFFFF80, v3  }
0xa8: {  	v2 =	vor.u32 v2, v3  }
0xa9: {  	v2 =	vperm.xlane v2, v0;
	_ =	sdelay $0x1  }
0xaa: {  	v2 =	vadd.s32 v1, v2;
	_ =	sdelay $0x4  }
0xab: {  	[tilespmem:s22], [sflag:$0x2] =	stream.indirect_vreg.gather [hbm4b:s1+s3], $0x80, v2, vm0, $0xb8;
	[tilespmem:$0x8080] =	vst v63  }
0xac: {  	_ = 	snop  }
0xad: {  	[tilespmem:s23], [sflag:$0x2] =	stream.indirect_vreg.gather [hbm4b:s4+s3], $0x80, v2, vm0, $0xb8;
	[tilespmem:$0x8080] =	vst v63  }
0xae: {  	_ = 	snop  }
0xaf: {  	[tilespmem:s24], [sflag:$0x2] =	stream.indirect_vreg.gather [hbm4b:s5+s3], $0x80, v2, vm0, $0xb8;
	[tilespmem:$0x8080] =	vst v63  }
0xb0: {  	_ = 	snop  }
0xb1: {  	[tilespmem:s25], [sflag:$0x2] =	stream.indirect_vreg.gather [hbm4b:s6+s3], $0x80, v2, vm0, $0xb8;
	[tilespmem:$0x8080] =	vst v63  }
0xb2: {  	_ = 	snop  }
0xb3: {  	[tilespmem:s26], [sflag:$0x2] =	stream.indirect_vreg.gather [hbm4b:s7+s3], $0x80, v2, vm0, $0xb8;
	[tilespmem:$0x8080] =	vst v63  }
0xb4: {  	_ = 	snop  }
0xb5: {  	[tilespmem:s28], [sflag:$0x2] =	stream.indirect_vreg.gather [hbm4b:s8+s3], $0x80, v2, vm0, $0xb8;
	[tilespmem:$0x8080] =	vst v63  }
0xb6: {  	_ = 	snop  }
0xb7: {  	[tilespmem:s29], [sflag:$0x2] =	stream.indirect_vreg.gather [hbm4b:s9+s3], $0x80, v2, vm0, $0xb8;
	[tilespmem:$0x8080] =	vst v63  }
0xb8: {  	_ = 	snop  }
0xb9: {  	[tilespmem:s30], [sflag:$0x2] =	stream.indirect_vreg.gather [hbm4b:s10+s3], $0x80, v2, vm0, $0xb8;
	[tilespmem:$0x8080] =	vst v63  }
0xba: {  	_ =	swait.ge [sflag:s31], $0x4000  }
0xbb: {  	[sflag:s31] =	ssyncset.done $0x0  }
0xbc: {  	s0 =	rddreg [dreg:$0x9];
	[sflag:s31] =	ssyncadd.s32 $0xFFFFC000  }
0xbd: {  	[hbm4b:s0+s3] =	stream.linear.scatter [tilespmem:s14], [sflag:$0x3], $0x4000, $0x38;
	[tilespmem:$0x8080] =	vst v63  }
0xbe: {  	_ =	swait.ge [sflag:s13], $0x4000  }
0xbf: {  	[sflag:s13] =	ssyncset.done $0x0  }
0xc0: {  	[sflag:s13] =	ssyncadd.s32 $0xFFFFC000  }
0xc1: {  	v2 =	vld.msk [tilespmem:$0x30], $0xff;
	_ =	sdelay $0x4  }
0xc2: {  	v3 =	vshll.u32 v2, $0x4  }
0xc3: {  	v2 =	vand.u32 $0x7, v2;
	v3 =	vand.u32 $0xFFFFFF80, v3  }
0xc4: {  	v2 =	vor.u32 v2, v3  }
0xc5: {  	v2 =	vperm.xlane v2, v0;
	_ =	sdelay $0x1  }
0xc6: {  	v2 =	vadd.s32 v1, v2;
	_ =	sdelay $0x4  }
0xc7: {  	[tilespmem:s14], [sflag:$0x1] =	stream.indirect_vreg.gather [hbm4b:s1+s3], $0x80, v2, vm0, $0xb8;
	[tilespmem:$0x8080] =	vst v63  }
0xc8: {  	_ = 	snop  }
0xc9: {  	[tilespmem:s15], [sflag:$0x1] =	stream.indirect_vreg.gather [hbm4b:s4+s3], $0x80, v2, vm0, $0xb8;
	[tilespmem:$0x8080] =	vst v63  }
0xca: {  	_ = 	snop  }
0xcb: {  	[tilespmem:s16], [sflag:$0x1] =	stream.indirect_vreg.gather [hbm4b:s5+s3], $0x80, v2, vm0, $0xb8;
	[tilespmem:$0x8080] =	vst v63  }
0xcc: {  	_ = 	snop  }
0xcd: {  	[tilespmem:s17], [sflag:$0x1] =	stream.indirect_vreg.gather [hbm4b:s6+s3], $0x80, v2, vm0, $0xb8;
	[tilespmem:$0x8080] =	vst v63  }
0xce: {  	_ = 	snop  }
0xcf: {  	[tilespmem:s18], [sflag:$0x1] =	stream.indirect_vreg.gather [hbm4b:s7+s3], $0x80, v2, vm0, $0xb8;
	[tilespmem:$0x8080] =	vst v63  }
0xd0: {  	_ = 	snop  }
0xd1: {  	[tilespmem:s19], [sflag:$0x1] =	stream.indirect_vreg.gather [hbm4b:s8+s3], $0x80, v2, vm0, $0xb8;
	[tilespmem:$0x8080] =	vst v63  }
0xd2: {  	_ = 	snop  }
0xd3: {  	[tilespmem:s20], [sflag:$0x1] =	stream.indirect_vreg.gather [hbm4b:s9+s3], $0x80, v2, vm0, $0xb8;
	[tilespmem:$0x8080] =	vst v63  }
0xd4: {  	_ = 	snop  }
0xd5: {  	[tilespmem:s21], [sflag:$0x1] =	stream.indirect_vreg.gather [hbm4b:s10+s3], $0x80, v2, vm0, $0xb8;
	[tilespmem:$0x8080] =	vst v63  }
0xd6: {  	_ =	swait.ge [sflag:s2], $0x4000  }
0xd7: {  	[sflag:s2] =	ssyncset.done $0x0  }
0xd8: {  	s0 =	rddreg [dreg:$0xa];
	[sflag:s2] =	ssyncadd.s32 $0xFFFFC000  }
0xd9: {  	[hbm4b:s0+s3] =	stream.linear.scatter [tilespmem:s22], [sflag:$0x3], $0x4000, $0x38;
	[tilespmem:$0x8080] =	vst v63  }
0xda: {  	_ =	swait.ge [sflag:s13], $0x4000  }
0xdb: {  	[sflag:s13] =	ssyncset.done $0x0  }
0xdc: {  	[sflag:s13] =	ssyncadd.s32 $0xFFFFC000  }
0xdd: {  	v2 =	vld.msk [tilespmem:$0x38], $0xff;
	_ =	sdelay $0x4  }
0xde: {  	v3 =	vshll.u32 v2, $0x4  }
0xdf: {  	v2 =	vand.u32 $0x7, v2;
	v3 =	vand.u32 $0xFFFFFF80, v3  }
0xe0: {  	v2 =	vor.u32 v2, v3  }
0xe1: {  	v2 =	vperm.xlane v2, v0;
	_ =	sdelay $0x1  }
0xe2: {  	v2 =	vadd.s32 v1, v2;
	_ =	sdelay $0x4  }
0xe3: {  	[tilespmem:s22], [sflag:$0x2] =	stream.indirect_vreg.gather [hbm4b:s1+s3], $0x80, v2, vm0, $0xb8;
	[tilespmem:$0x8080] =	vst v63  }
0xe4: {  	_ = 	snop  }
0xe5: {  	[tilespmem:s23], [sflag:$0x2] =	stream.indirect_vreg.gather [hbm4b:s4+s3], $0x80, v2, vm0, $0xb8;
	[tilespmem:$0x8080] =	vst v63  }
0xe6: {  	_ = 	snop  }
0xe7: {  	[tilespmem:s24], [sflag:$0x2] =	stream.indirect_vreg.gather [hbm4b:s5+s3], $0x80, v2, vm0, $0xb8;
	[tilespmem:$0x8080] =	vst v63  }
0xe8: {  	_ = 	snop  }
0xe9: {  	[tilespmem:s25], [sflag:$0x2] =	stream.indirect_vreg.gather [hbm4b:s6+s3], $0x80, v2, vm0, $0xb8;
	[tilespmem:$0x8080] =	vst v63  }
0xea: {  	_ = 	snop  }
0xeb: {  	[tilespmem:s26], [sflag:$0x2] =	stream.indirect_vreg.gather [hbm4b:s7+s3], $0x80, v2, vm0, $0xb8;
	[tilespmem:$0x8080] =	vst v63  }
0xec: {  	_ = 	snop  }
0xed: {  	[tilespmem:s28], [sflag:$0x2] =	stream.indirect_vreg.gather [hbm4b:s8+s3], $0x80, v2, vm0, $0xb8;
	[tilespmem:$0x8080] =	vst v63  }
0xee: {  	_ = 	snop  }
0xef: {  	[tilespmem:s29], [sflag:$0x2] =	stream.indirect_vreg.gather [hbm4b:s9+s3], $0x80, v2, vm0, $0xb8;
	[tilespmem:$0x8080] =	vst v63  }
0xf0: {  	_ = 	snop  }
0xf1: {  	[tilespmem:s30], [sflag:$0x2] =	stream.indirect_vreg.gather [hbm4b:s10+s3], $0x80, v2, vm0, $0xb8;
	[tilespmem:$0x8080] =	vst v63  }
0xf2: {  	_ =	swait.ge [sflag:s31], $0x4000  }
0xf3: {  	[sflag:s31] =	ssyncset.done $0x0  }
0xf4: {  	s0 =	rddreg [dreg:$0xb];
	[sflag:s31] =	ssyncadd.s32 $0xFFFFC000  }
0xf5: {  	[hbm4b:s0+s3] =	stream.linear.scatter [tilespmem:s14], [sflag:$0x3], $0x4000, $0x38;
	[tilespmem:$0x8080] =	vst v63  }
0xf6: {  	_ =	swait.ge [sflag:s13], $0x4000  }
0xf7: {  	[sflag:s13] =	ssyncset.done $0x0  }
0xf8: {  	[sflag:s13] =	ssyncadd.s32 $0xFFFFC000  }
0xf9: {  	v2 =	vld.msk [tilespmem:$0x40], $0xff;
	_ =	sdelay $0x4  }
0xfa: {  	v3 =	vshll.u32 v2, $0x4  }
0xfb: {  	v2 =	vand.u32 $0x7, v2;
	v3 =	vand.u32 $0xFFFFFF80, v3  }
0xfc: {  	v2 =	vor.u32 v2, v3  }
0xfd: {  	v2 =	vperm.xlane v2, v0;
	_ =	sdelay $0x1  }
0xfe: {  	v2 =	vadd.s32 v1, v2;
	_ =	sdelay $0x4  }
0xff: {  	[tilespmem:s14], [sflag:$0x1] =	stream.indirect_vreg.gather [hbm4b:s1+s3], $0x80, v2, vm0, $0xb8;
	[tilespmem:$0x8080] =	vst v63  }
0x100: {  	_ = 	snop  }
0x101: {  	[tilespmem:s15], [sflag:$0x1] =	stream.indirect_vreg.gather [hbm4b:s4+s3], $0x80, v2, vm0, $0xb8;
	[tilespmem:$0x8080] =	vst v63  }
0x102: {  	_ = 	snop  }
0x103: {  	[tilespmem:s16], [sflag:$0x1] =	stream.indirect_vreg.gather [hbm4b:s5+s3], $0x80, v2, vm0, $0xb8;
	[tilespmem:$0x8080] =	vst v63  }
0x104: {  	_ = 	snop  }
0x105: {  	[tilespmem:s17], [sflag:$0x1] =	stream.indirect_vreg.gather [hbm4b:s6+s3], $0x80, v2, vm0, $0xb8;
	[tilespmem:$0x8080] =	vst v63  }
0x106: {  	_ = 	snop  }
0x107: {  	[tilespmem:s18], [sflag:$0x1] =	stream.indirect_vreg.gather [hbm4b:s7+s3], $0x80, v2, vm0, $0xb8;
	[tilespmem:$0x8080] =	vst v63  }
0x108: {  	_ = 	snop  }
0x109: {  	[tilespmem:s19], [sflag:$0x1] =	stream.indirect_vreg.gather [hbm4b:s8+s3], $0x80, v2, vm0, $0xb8;
	[tilespmem:$0x8080] =	vst v63  }
0x10a: {  	_ = 	snop  }
0x10b: {  	[tilespmem:s20], [sflag:$0x1] =	stream.indirect_vreg.gather [hbm4b:s9+s3], $0x80, v2, vm0, $0xb8;
	[tilespmem:$0x8080] =	vst v63  }
0x10c: {  	_ = 	snop  }
0x10d: {  	[tilespmem:s21], [sflag:$0x1] =	stream.indirect_vreg.gather [hbm4b:s10+s3], $0x80, v2, vm0, $0xb8;
	[tilespmem:$0x8080] =	vst v63  }
0x10e: {  	_ =	swait.ge [sflag:s2], $0x4000  }
0x10f: {  	[sflag:s2] =	ssyncset.done $0x0  }
0x110: {  	s0 =	rddreg [dreg:$0xc];
	[sflag:s2] =	ssyncadd.s32 $0xFFFFC000  }
0x111: {  	[hbm4b:s0+s3] =	stream.linear.scatter [tilespmem:s22], [sflag:$0x3], $0x4000, $0x38;
	[tilespmem:$0x8080] =	vst v63  }
0x112: {  	_ =	swait.ge [sflag:s13], $0x4000  }
0x113: {  	[sflag:s13] =	ssyncset.done $0x0  }
0x114: {  	[sflag:s13] =	ssyncadd.s32 $0xFFFFC000  }
0x115: {  	v2 =	vld.msk [tilespmem:$0x48], $0xff;
	_ =	sdelay $0x4  }
0x116: {  	v3 =	vshll.u32 v2, $0x4  }
0x117: {  	v2 =	vand.u32 $0x7, v2;
	v3 =	vand.u32 $0xFFFFFF80, v3  }
0x118: {  	v2 =	vor.u32 v2, v3  }
0x119: {  	v2 =	vperm.xlane v2, v0;
	_ =	sdelay $0x1  }
0x11a: {  	v2 =	vadd.s32 v1, v2;
	_ =	sdelay $0x4  }
0x11b: {  	[tilespmem:s22], [sflag:$0x2] =	stream.indirect_vreg.gather [hbm4b:s1+s3], $0x80, v2, vm0, $0xb8;
	[tilespmem:$0x8080] =	vst v63  }
0x11c: {  	_ = 	snop  }
0x11d: {  	[tilespmem:s23], [sflag:$0x2] =	stream.indirect_vreg.gather [hbm4b:s4+s3], $0x80, v2, vm0, $0xb8;
	[tilespmem:$0x8080] =	vst v63  }
0x11e: {  	_ = 	snop  }
0x11f: {  	[tilespmem:s24], [sflag:$0x2] =	stream.indirect_vreg.gather [hbm4b:s5+s3], $0x80, v2, vm0, $0xb8;
	[tilespmem:$0x8080] =	vst v63  }
0x120: {  	_ = 	snop  }
0x121: {  	[tilespmem:s25], [sflag:$0x2] =	stream.indirect_vreg.gather [hbm4b:s6+s3], $0x80, v2, vm0, $0xb8;
	[tilespmem:$0x8080] =	vst v63  }
0x122: {  	_ = 	snop  }
0x123: {  	[tilespmem:s26], [sflag:$0x2] =	stream.indirect_vreg.gather [hbm4b:s7+s3], $0x80, v2, vm0, $0xb8;
	[tilespmem:$0x8080] =	vst v63  }
0x124: {  	_ = 	snop  }
0x125: {  	[tilespmem:s28], [sflag:$0x2] =	stream.indirect_vreg.gather [hbm4b:s8+s3], $0x80, v2, vm0, $0xb8;
	[tilespmem:$0x8080] =	vst v63  }
0x126: {  	_ = 	snop  }
0x127: {  	[tilespmem:s29], [sflag:$0x2] =	stream.indirect_vreg.gather [hbm4b:s9+s3], $0x80, v2, vm0, $0xb8;
	[tilespmem:$0x8080] =	vst v63  }
0x128: {  	_ = 	snop  }
0x129: {  	[tilespmem:s30], [sflag:$0x2] =	stream.indirect_vreg.gather [hbm4b:s10+s3], $0x80, v2, vm0, $0xb8;
	[tilespmem:$0x8080] =	vst v63  }
0x12a: {  	_ =	swait.ge [sflag:s31], $0x4000  }
0x12b: {  	[sflag:s31] =	ssyncset.done $0x0  }
0x12c: {  	s0 =	rddreg [dreg:$0xd];
	[sflag:s31] =	ssyncadd.s32 $0xFFFFC000  }
0x12d: {  	[hbm4b:s0+s3] =	stream.linear.scatter [tilespmem:s14], [sflag:$0x3], $0x4000, $0x38;
	[tilespmem:$0x8080] =	vst v63  }
0x12e: {  	_ =	swait.ge [sflag:s13], $0x4000  }
0x12f: {  	[sflag:s13] =	ssyncset.done $0x0  }
0x130: {  	[sflag:s13] =	ssyncadd.s32 $0xFFFFC000  }
0x131: {  	v2 =	vld.msk [tilespmem:$0x50], $0xff;
	_ =	sdelay $0x4  }
0x132: {  	v3 =	vshll.u32 v2, $0x4  }
0x133: {  	v2 =	vand.u32 $0x7, v2;
	v3 =	vand.u32 $0xFFFFFF80, v3  }
0x134: {  	v2 =	vor.u32 v2, v3  }
0x135: {  	v2 =	vperm.xlane v2, v0;
	_ =	sdelay $0x1  }
0x136: {  	v2 =	vadd.s32 v1, v2;
	_ =	sdelay $0x4  }
0x137: {  	[tilespmem:s14], [sflag:$0x1] =	stream.indirect_vreg.gather [hbm4b:s1+s3], $0x80, v2, vm0, $0xb8;
	[tilespmem:$0x8080] =	vst v63  }
0x138: {  	_ = 	snop  }
0x139: {  	[tilespmem:s15], [sflag:$0x1] =	stream.indirect_vreg.gather [hbm4b:s4+s3], $0x80, v2, vm0, $0xb8;
	[tilespmem:$0x8080] =	vst v63  }
0x13a: {  	_ = 	snop  }
0x13b: {  	[tilespmem:s16], [sflag:$0x1] =	stream.indirect_vreg.gather [hbm4b:s5+s3], $0x80, v2, vm0, $0xb8;
	[tilespmem:$0x8080] =	vst v63  }
0x13c: {  	_ = 	snop  }
0x13d: {  	[tilespmem:s17], [sflag:$0x1] =	stream.indirect_vreg.gather [hbm4b:s6+s3], $0x80, v2, vm0, $0xb8;
	[tilespmem:$0x8080] =	vst v63  }
0x13e: {  	_ = 	snop  }
0x13f: {  	[tilespmem:s18], [sflag:$0x1] =	stream.indirect_vreg.gather [hbm4b:s7+s3], $0x80, v2, vm0, $0xb8;
	[tilespmem:$0x8080] =	vst v63  }
0x140: {  	_ = 	snop  }
0x141: {  	[tilespmem:s19], [sflag:$0x1] =	stream.indirect_vreg.gather [hbm4b:s8+s3], $0x80, v2, vm0, $0xb8;
	[tilespmem:$0x8080] =	vst v63  }
0x142: {  	_ = 	snop  }
0x143: {  	[tilespmem:s20], [sflag:$0x1] =	stream.indirect_vreg.gather [hbm4b:s9+s3], $0x80, v2, vm0, $0xb8;
	[tilespmem:$0x8080] =	vst v63  }
0x144: {  	_ = 	snop  }
0x145: {  	[tilespmem:s21], [sflag:$0x1] =	stream.indirect_vreg.gather [hbm4b:s10+s3], $0x80, v2, vm0, $0xb8;
	[tilespmem:$0x8080] =	vst v63  }
0x146: {  	_ =	swait.ge [sflag:s2], $0x4000  }
0x147: {  	[sflag:s2] =	ssyncset.done $0x0  }
0x148: {  	s0 =	rddreg [dreg:$0xe];
	[sflag:s2] =	ssyncadd.s32 $0xFFFFC000  }
0x149: {  	[hbm4b:s0+s3] =	stream.linear.scatter [tilespmem:s22], [sflag:$0x3], $0x4000, $0x38;
	[tilespmem:$0x8080] =	vst v63  }
0x14a: {  	_ =	swait.ge [sflag:s13], $0x4000  }
0x14b: {  	[sflag:s13] =	ssyncset.done $0x0  }
0x14c: {  	[sflag:s13] =	ssyncadd.s32 $0xFFFFC000  }
0x14d: {  	v2 =	vld.msk [tilespmem:$0x58], $0xff;
	_ =	sdelay $0x4  }
0x14e: {  	v3 =	vshll.u32 v2, $0x4  }
0x14f: {  	v2 =	vand.u32 $0x7, v2;
	v3 =	vand.u32 $0xFFFFFF80, v3  }
0x150: {  	v2 =	vor.u32 v2, v3  }
0x151: {  	v2 =	vperm.xlane v2, v0;
	_ =	sdelay $0x1  }
0x152: {  	v2 =	vadd.s32 v1, v2;
	_ =	sdelay $0x4  }
0x153: {  	[tilespmem:s22], [sflag:$0x2] =	stream.indirect_vreg.gather [hbm4b:s1+s3], $0x80, v2, vm0, $0xb8;
	[tilespmem:$0x8080] =	vst v63  }
0x154: {  	_ = 	snop  }
0x155: {  	[tilespmem:s23], [sflag:$0x2] =	stream.indirect_vreg.gather [hbm4b:s4+s3], $0x80, v2, vm0, $0xb8;
	[tilespmem:$0x8080] =	vst v63  }
0x156: {  	_ = 	snop  }
0x157: {  	[tilespmem:s24], [sflag:$0x2] =	stream.indirect_vreg.gather [hbm4b:s5+s3], $0x80, v2, vm0, $0xb8;
	[tilespmem:$0x8080] =	vst v63  }
0x158: {  	_ = 	snop  }
0x159: {  	[tilespmem:s25], [sflag:$0x2] =	stream.indirect_vreg.gather [hbm4b:s6+s3], $0x80, v2, vm0, $0xb8;
	[tilespmem:$0x8080] =	vst v63  }
0x15a: {  	_ = 	snop  }
0x15b: {  	[tilespmem:s26], [sflag:$0x2] =	stream.indirect_vreg.gather [hbm4b:s7+s3], $0x80, v2, vm0, $0xb8;
	[tilespmem:$0x8080] =	vst v63  }
0x15c: {  	_ = 	snop  }
0x15d: {  	[tilespmem:s28], [sflag:$0x2] =	stream.indirect_vreg.gather [hbm4b:s8+s3], $0x80, v2, vm0, $0xb8;
	[tilespmem:$0x8080] =	vst v63  }
0x15e: {  	_ = 	snop  }
0x15f: {  	[tilespmem:s29], [sflag:$0x2] =	stream.indirect_vreg.gather [hbm4b:s9+s3], $0x80, v2, vm0, $0xb8;
	[tilespmem:$0x8080] =	vst v63  }
0x160: {  	_ = 	snop  }
0x161: {  	[tilespmem:s30], [sflag:$0x2] =	stream.indirect_vreg.gather [hbm4b:s10+s3], $0x80, v2, vm0, $0xb8;
	[tilespmem:$0x8080] =	vst v63  }
0x162: {  	_ =	swait.ge [sflag:s31], $0x4000  }
0x163: {  	[sflag:s31] =	ssyncset.done $0x0  }
0x164: {  	s0 =	rddreg [dreg:$0xf];
	[sflag:s31] =	ssyncadd.s32 $0xFFFFC000  }
0x165: {  	[hbm4b:s0+s3] =	stream.linear.scatter [tilespmem:s14], [sflag:$0x3], $0x4000, $0x38;
	[tilespmem:$0x8080] =	vst v63  }
0x166: {  	_ =	swait.ge [sflag:s13], $0x4000  }
0x167: {  	[sflag:s13] =	ssyncset.done $0x0  }
0x168: {  	[sflag:s13] =	ssyncadd.s32 $0xFFFFC000  }
0x169: {  	v2 =	vld.msk [tilespmem:$0x60], $0xff;
	_ =	sdelay $0x4  }
0x16a: {  	v3 =	vshll.u32 v2, $0x4  }
0x16b: {  	v2 =	vand.u32 $0x7, v2;
	v3 =	vand.u32 $0xFFFFFF80, v3  }
0x16c: {  	v2 =	vor.u32 v2, v3  }
0x16d: {  	v2 =	vperm.xlane v2, v0;
	_ =	sdelay $0x1  }
0x16e: {  	v2 =	vadd.s32 v1, v2;
	_ =	sdelay $0x4  }
0x16f: {  	[tilespmem:s14], [sflag:$0x1] =	stream.indirect_vreg.gather [hbm4b:s1+s3], $0x80, v2, vm0, $0xb8;
	[tilespmem:$0x8080] =	vst v63  }
0x170: {  	_ = 	snop  }
0x171: {  	[tilespmem:s15], [sflag:$0x1] =	stream.indirect_vreg.gather [hbm4b:s4+s3], $0x80, v2, vm0, $0xb8;
	[tilespmem:$0x8080] =	vst v63  }
0x172: {  	_ = 	snop  }
0x173: {  	[tilespmem:s16], [sflag:$0x1] =	stream.indirect_vreg.gather [hbm4b:s5+s3], $0x80, v2, vm0, $0xb8;
	[tilespmem:$0x8080] =	vst v63  }
0x174: {  	_ = 	snop  }
0x175: {  	[tilespmem:s17], [sflag:$0x1] =	stream.indirect_vreg.gather [hbm4b:s6+s3], $0x80, v2, vm0, $0xb8;
	[tilespmem:$0x8080] =	vst v63  }
0x176: {  	_ = 	snop  }
0x177: {  	[tilespmem:s18], [sflag:$0x1] =	stream.indirect_vreg.gather [hbm4b:s7+s3], $0x80, v2, vm0, $0xb8;
	[tilespmem:$0x8080] =	vst v63  }
0x178: {  	_ = 	snop  }
0x179: {  	[tilespmem:s19], [sflag:$0x1] =	stream.indirect_vreg.gather [hbm4b:s8+s3], $0x80, v2, vm0, $0xb8;
	[tilespmem:$0x8080] =	vst v63  }
0x17a: {  	_ = 	snop  }
0x17b: {  	[tilespmem:s20], [sflag:$0x1] =	stream.indirect_vreg.gather [hbm4b:s9+s3], $0x80, v2, vm0, $0xb8;
	[tilespmem:$0x8080] =	vst v63  }
0x17c: {  	_ = 	snop  }
0x17d: {  	[tilespmem:s21], [sflag:$0x1] =	stream.indirect_vreg.gather [hbm4b:s10+s3], $0x80, v2, vm0, $0xb8;
	[tilespmem:$0x8080] =	vst v63  }
0x17e: {  	_ =	swait.ge [sflag:s2], $0x4000  }
0x17f: {  	[sflag:s2] =	ssyncset.done $0x0  }
0x180: {  	s0 =	rddreg [dreg:$0x10];
	[sflag:s2] =	ssyncadd.s32 $0xFFFFC000  }
0x181: {  	[hbm4b:s0+s3] =	stream.linear.scatter [tilespmem:s22], [sflag:$0x3], $0x4000, $0x38;
	[tilespmem:$0x8080] =	vst v63  }
0x182: {  	_ =	swait.ge [sflag:s13], $0x4000  }
0x183: {  	[sflag:s13] =	ssyncset.done $0x0  }
0x184: {  	[sflag:s13] =	ssyncadd.s32 $0xFFFFC000  }
0x185: {  	_ =	swait.ge [sflag:s31], $0x4000  }
0x186: {  	p0 =	sne.s32 s12, $0x1;
	[sflag:s31] =	ssyncset.done $0x0  }
.Ltmp0:
0x187: {  	[sflag:s31] =	ssyncadd.s32 $0xFFFFC000;
	(pc) =	sbr.rel @p0 .LBB2_1-.Ltmp0, $4  }
0x188: {  	[hbm4b:s11+s3] =	stream.linear.scatter [tilespmem:s14], [sflag:$0x3], $0x4000, $0x38;
	[tilespmem:$0x8080] =	vst v63  }
0x189: {  	_ =	swait.ge [sflag:s13], $0x4000  }
0x18a: {  	[sflag:s13] =	ssyncset.done $0x0  }
0x18b: {  	s12 =	sadd.s32 $0xFFFFFFFF, s12;
	[sflag:s13] =	ssyncadd.s32 $0xFFFFC000  }
0x18c: {  	_ =	sfence.sel $0x180000  }
0x18d: {  	[bflag:$0x0] =	sbarrier.arrive $0xFFFF  }
0x18e: {  	_ =	strace $0x90000047  }
0x18f: {  	s0 =	stileid.u32;
	[bflag:$0x2] =	sbarrier.arrive $0xFFFF  }
0x190: {  	p0 =	sne.s32 s0, $0x0;
	s0 =	rddreg [dreg:$0x3]  }
0x191: {  	s0 =	sadd.s32 @!p0 $0x100000, s0  }
0x192: {  	[sflag:s0] =	ssyncadd.tile.s32 @!p0 $0x1;
	_ =	shalt  }
.Lfunc_end2:
_tile_overlayer_lowered:
.L_overlay_start_2:
0x193: {  	(tag) =	ssettag $0x2  }
0x194: {  	s0 =	rddreg [dreg:$0x0];
	s2 =	stileid.u32  }
0x195: {  	s1 =	rddreg [dreg:$0x1];
	p0 =	sne.s32 s2, $0x0  }
0x196: {  	s3 =	rddreg [dreg:$0x2];
	[bflag:$0x3] =	sbarrier.arrive $0xFFFF;
	s2 =	simm.s32 @!p0 $0x1C03  }
0x197: {  	[timem:s3], [sflag:s2] =	dma.local @!p0 [hbm:s0], s1  }
0x198: {  	s0 =	simm.s32 @!p0 $0x3  }
0x199: {  	_ =	swait.ge @!p0 [sflag:s0], s1  }
0x19a: {  	s1 =	ssub.s32 @!p0 $0x0, s1;
	[sflag:s0] =	ssyncset.done @!p0 $0x0  }
0x19b: {  	[sflag:s0] =	ssyncadd.s32 @!p0 s1  }
0x19c: {  	[bflag:$0x3] =	sbarrier.arrive $0xFFFF  }
0x19d: {  	_ =	shalt  }

</sc_bundles>
